<compile_context>
chip_gen: v7x
topology: tpu7x:2x2x1
jax: 0.10.2.dev20260603
libtpu: 0.0.44.dev20260713+nightly
codegen_flags: <defaults>
</compile_context>

<pallas_src>
import functools

import jax
import jax.numpy as jnp
from jax import lax
from jax.experimental import pallas as pl
from jax.experimental.pallas import tpu as pltpu
from jax.experimental.pallas import tpu_sc as plsc

B = 16384
TB = 4096
NW = 32
RPW = B // NW
NCH = RPW // 128


NS_, NG_, NM_ = 102, 22, 12
NT2 = NS_ * NG_


def _prep_body(se_ref, ge_ref, me_ref, Wsub_ref, bsub_ref, Wgr_ref, bgr_ref,
               W1_ref, b1_ref, si_ref, gi_ref,
               t2_o, tmb_o, wsub1_o, wgr1_o, ip_o):
    f32 = jnp.float32
    W1 = W1_ref[...]
    ts = jnp.dot(se_ref[...], W1[0:32, :], preferred_element_type=f32)
    tg = jnp.dot(ge_ref[...], W1[32:64, :], preferred_element_type=f32)
    bias = (b1_ref[...]
            + jnp.dot(bsub_ref[...], W1[96:128, :], preferred_element_type=f32)
            + jnp.dot(bgr_ref[...], W1[128:160, :], preferred_element_type=f32))
    tmb_o[...] = jnp.dot(me_ref[...], W1[64:96, :], preferred_element_type=f32) + bias
    t2_o[...] = (ts[:, None, :] + tg[None, :, :]).reshape(NT2, 128)
    wsub1_o[...] = jnp.dot(Wsub_ref[...], W1[96:128, :], preferred_element_type=f32)
    wgr1_o[...] = jnp.dot(Wgr_ref[...], W1[128:160, :], preferred_element_type=f32)
    ip_o[...] = si_ref[...] * NG_ + gi_ref[...]


def _prep(school_emb, goal_emb, method_emb, W_sub, b_sub, W_gr, b_gr, W1, b1,
          si2, gi2):
    return pl.pallas_call(
        _prep_body,
        out_shape=(
            jax.ShapeDtypeStruct((NT2, 128), jnp.float32),
            jax.ShapeDtypeStruct((12, 128), jnp.float32),
            jax.ShapeDtypeStruct((15, 128), jnp.float32),
            jax.ShapeDtypeStruct((12, 128), jnp.float32),
            jax.ShapeDtypeStruct((B // 128, 128), jnp.int32),
        ),
    )(school_emb, goal_emb, method_emb, W_sub, b_sub.reshape(1, 32),
      W_gr, b_gr.reshape(1, 32), W1, b1.reshape(1, 128), si2, gi2)


CH = 128
NSET = 4


def _sc_body(ip_hbm, t3_hbm, out_hbm, idx_p, bufs, gsem, wsem):
    cid = lax.axis_index("c")
    sid = lax.axis_index("s")
    wid = cid * 16 + sid
    gbase = wid * RPW
    grow = wid * NCH

    pltpu.sync_copy(ip_hbm.at[pl.ds(grow, NCH)], idx_p)

    gh = [pltpu.async_copy(t3_hbm.at[idx_p.at[p]], bufs.at[p], gsem.at[p])
          for p in range(NCH)]
    wh = []
    for q in range(NCH):
        gh[q].wait()
        wh.append(pltpu.async_copy(
            bufs.at[q], out_hbm.at[pl.ds(gbase + q * CH, CH)], wsem.at[q]))
    for h in wh:
        h.wait()


def _sc_gather(ip2, t3):
    mesh = plsc.VectorSubcoreMesh(core_axis_name="c", subcore_axis_name="s")
    k = functools.partial(
        pl.kernel,
        mesh=mesh,
        out_type=jax.ShapeDtypeStruct((B, 128), jnp.float32),
        scratch_types=[
            pltpu.VMEM((NCH, 128), jnp.int32),
            pltpu.VMEM((NSET, CH, 128), jnp.float32),
            pltpu.SemaphoreType.DMA((NSET,)),
            pltpu.SemaphoreType.DMA((NSET,)),
        ],
    )(_sc_body)
    return k(ip2, t3)


def _tail_body(e_ref, mi_ref, subM_ref, grM_ref, tmb_ref, wsub1_ref, wgr1_ref,
               W2_ref, b2_ref, W3_ref, b3_ref, out_ref):
    f32 = jnp.float32
    oh_m = (mi_ref[0, 0, :][:, None]
            == lax.broadcasted_iota(jnp.int32, (TB, 12), 1)).astype(f32)
    h1 = (e_ref[...]
          + jnp.dot(oh_m, tmb_ref[...], preferred_element_type=f32)
          + jnp.dot(subM_ref[...], wsub1_ref[...], preferred_element_type=f32)
          + jnp.dot(grM_ref[...], wgr1_ref[...], preferred_element_type=f32))
    h1 = jnp.maximum(h1, 0.0)
    h2 = jnp.maximum(jnp.dot(h1, W2_ref[...], preferred_element_type=f32) + b2_ref[...], 0.0)
    out_ref[...] = jnp.dot(h2, W3_ref[...], preferred_element_type=f32) + b3_ref[...]


def _tail(E, mi3, subM, grM, tmb, wsub1, wgr1, W2, b2, W3, b3):
    nb = B // TB

    def batch_spec(w):
        return pl.BlockSpec((TB, w), lambda i: (i, 0))

    def full_spec(shape):
        return pl.BlockSpec(shape, lambda i: (0,) * len(shape))

    return pl.pallas_call(
        _tail_body,
        grid=(nb,),
        in_specs=[
            batch_spec(128), pl.BlockSpec((1, 1, TB), lambda i: (i, 0, 0)),
            batch_spec(15), batch_spec(12),
            full_spec((12, 128)), full_spec((15, 128)), full_spec((12, 128)),
            full_spec((128, 64)), full_spec((1, 64)),
            full_spec((64, 32)), full_spec((1, 32)),
        ],
        out_specs=pl.BlockSpec((TB, 32), lambda i: (i, 0)),
        out_shape=jax.ShapeDtypeStruct((B, 32), jnp.float32),
    )(E, mi3, subM, grM, tmb, wsub1, wgr1, W2, b2.reshape(1, 64), W3,
      b3.reshape(1, 32))


def kernel(school_idx, goal_idx, method_idx, subject_multi_hot, grade_multi_hot,
           school_emb, goal_emb, method_emb, W_sub, b_sub, W_gr, b_gr,
           W1, b1, W2, b2, W3, b3):
    si2 = school_idx.astype(jnp.int32).reshape(B // 128, 128)
    gi2 = goal_idx.astype(jnp.int32).reshape(B // 128, 128)
    mi3 = method_idx.astype(jnp.int32).reshape(B // TB, 1, TB)
    t2, tmb, wsub1, wgr1, ip2 = _prep(
        school_emb, goal_emb, method_emb, W_sub, b_sub, W_gr, b_gr, W1, b1,
        si2, gi2)
    E = _sc_gather(ip2, t2)
    return _tail(E, mi3, subject_multi_hot, grade_multi_hot,
                 tmb, wsub1, wgr1, W2, b2, W3, b3)

# --- scband reference (transcript-rebuilt; emitter-appended) ---
"""Pipeline reference for scband-student-tower-12103217840649 (READ-ONLY COPY).

The authoritative reference and input builder live on the scoring server;
editing this copy changes nothing except your own understanding.
"""

import jax, jax.numpy as jnp
import numpy as np

B = 16384
N_SCHOOL = 102
N_GOAL = 22
N_METHOD = 12
N_SUBJECT = 15
N_GRADE = 12
D = 32
H_IN = 5 * D

def setup_inputs(seed: int = 0):
    key = jax.random.key(seed)
    ks = jax.random.split(key, 20)
    inp = {}
    inp['school_idx'] = jax.random.randint(ks[0], (B,), 0, N_SCHOOL)
    inp['goal_idx'] = jax.random.randint(ks[1], (B,), 0, N_GOAL)
    inp['method_idx'] = jax.random.randint(ks[2], (B,), 0, N_METHOD)
    inp['subject_multi_hot'] = jax.random.uniform(ks[3], (B, N_SUBJECT), dtype=jnp.float32)
    inp['grade_multi_hot'] = jax.random.uniform(ks[4], (B, N_GRADE), dtype=jnp.float32)
    inp['school_emb'] = jax.random.normal(ks[5], (N_SCHOOL, D), dtype=jnp.float32) * 0.05
    inp['goal_emb'] = jax.random.normal(ks[6], (N_GOAL, D), dtype=jnp.float32) * 0.05
    inp['method_emb'] = jax.random.normal(ks[7], (N_METHOD, D), dtype=jnp.float32) * 0.05
    inp['W_sub'] = jax.random.normal(ks[8], (N_SUBJECT, D), dtype=jnp.float32) * 0.05
    inp['b_sub'] = jnp.zeros((D,), dtype=jnp.float32)
    inp['W_gr'] = jax.random.normal(ks[9], (N_GRADE, D), dtype=jnp.float32) * 0.05
    inp['b_gr'] = jnp.zeros((D,), dtype=jnp.float32)
    inp['W1'] = jax.random.normal(ks[10], (H_IN, 128), dtype=jnp.float32) * 0.05
    inp['b1'] = jnp.zeros((128,), dtype=jnp.float32)
    inp['W2'] = jax.random.normal(ks[11], (128, 64), dtype=jnp.float32) * 0.05
    inp['b2'] = jnp.zeros((64,), dtype=jnp.float32)
    inp['W3'] = jax.random.normal(ks[12], (64, 32), dtype=jnp.float32) * 0.05
    inp['b3'] = jnp.zeros((32,), dtype=jnp.float32)
    return inp

def reference(school_idx, goal_idx, method_idx, subject_multi_hot, grade_multi_hot, school_emb, goal_emb, method_emb, W_sub, b_sub, W_gr, b_gr, W1, b1, W2, b2, W3, b3):
    # StringLookup is precomputed into integer indices; embeddings are row gathers.
    se = jnp.take(school_emb, school_idx, axis=0)
    ge = jnp.take(goal_emb, goal_idx, axis=0)
    me = jnp.take(method_emb, method_idx, axis=0)
    # Dropout layers are identity at inference; L2 regularizers do not affect forward.
    sub_e = subject_multi_hot @ W_sub + b_sub
    gr_e = grade_multi_hot @ W_gr + b_gr
    h = jnp.concatenate([se, ge, me, sub_e, gr_e], axis=-1)
    h = jax.nn.relu(h @ W1 + b1)
    h = jax.nn.relu(h @ W2 + b2)
    out = h @ W3 + b3
    return out

if __name__ == "__main__":
    import jax
    _d = setup_inputs()
    print(jax.jit(kernel)(*tuple(_d.values())))

</pallas_src>

<mosaic_0001>
#map = affine_map<(d0, d1) -> (0, 0)>
module attributes {stable_mosaic.version = 14 : i64} {
  func.func @_sc_body(%arg0: i32, %arg1: i32, %arg2: memref<128x128xi32, #tpu.memory_space<hbm>>, %arg3: memref<2244x128xf32, #tpu.memory_space<hbm>>, %arg4: memref<16384x128xf32, #tpu.memory_space<hbm>>, %arg5: memref<4x128xi32, #tpu.memory_space<vmem>>, %arg6: memref<4x128x128xf32, #tpu.memory_space<vmem>>, %arg7: memref<4x!tpu.dma_semaphore, #tpu.memory_space<semaphore_mem>>, %arg8: memref<4x!tpu.dma_semaphore, #tpu.memory_space<semaphore_mem>>) attributes {dimension_semantics = [#tpu.dimension_semantics<core_parallel>, #tpu.dimension_semantics<subcore_parallel>], iteration_bounds = array<i64: 2, 16>, scalar_prefetch = 0 : i64, scratch_operands = 4 : i64, tpu.core_type = #tpu.core_type<sc_vector_subcore>, window_params = [{transform_indices = #map}, {transform_indices = #map}, {transform_indices = #map}]} {
    %mul3A = arith.constant 16 : i32
    %mul3A_0 = arith.muli %arg0, %mul3A : i32
    %add3A = arith.addi %mul3A_0, %arg1 : i32
    %mul3A_1 = arith.constant 512 : i32
    %mul3A_2 = arith.muli %add3A, %mul3A_1 : i32
    %mul3A_3 = arith.constant 4 : i32
    %mul3A_4 = arith.muli %add3A, %mul3A_3 : i32
    "tpu.region"() ({
      %run_scoped3A = tpu.sem_alloc : memref<!tpu.dma_semaphore, #tpu.memory_space<semaphore_mem>>
      %dma_start3A_259 = arith.constant 0 : i32
      %dma_start3A_260 = tpu.memref_slice %arg2[%mul3A_4, %dma_start3A_259] : memref<128x128xi32, #tpu.memory_space<hbm>> -> memref<4x128xi32, #tpu.memory_space<hbm>>
      %dma_start3A_261 = arith.constant 0 : i32
      %dma_start3A_262 = tpu.memref_slice %arg2[%mul3A_4, %dma_start3A_261] : memref<128x128xi32, #tpu.memory_space<hbm>> -> memref<4x128xi32, #tpu.memory_space<hbm>>
      tpu.enqueue_dma source(%dma_start3A_262 : memref<4x128xi32, #tpu.memory_space<hbm>>) target(%arg5 : memref<4x128xi32, #tpu.memory_space<vmem>>) target_semaphore(%run_scoped3A : memref<!tpu.dma_semaphore, #tpu.memory_space<semaphore_mem>>)
      %dma_wait3A_263 = arith.constant 0 : i32
      %dma_wait3A_264 = tpu.memref_slice %arg2[%mul3A_4, %dma_wait3A_263] : memref<128x128xi32, #tpu.memory_space<hbm>> -> memref<4x128xi32, #tpu.memory_space<hbm>>
      %dma_wait3A_265 = arith.constant 0 : i32
      %dma_wait3A_266 = tpu.memref_slice %arg2[%mul3A_4, %dma_wait3A_265] : memref<128x128xi32, #tpu.memory_space<hbm>> -> memref<4x128xi32, #tpu.memory_space<hbm>>
      tpu.wait_dma2 semaphore(%run_scoped3A : memref<!tpu.dma_semaphore, #tpu.memory_space<semaphore_mem>>) src(%dma_wait3A_266 : memref<4x128xi32, #tpu.memory_space<hbm>>) dst(%arg5 : memref<4x128xi32, #tpu.memory_space<vmem>>)
      tpu.yield
    }) : () -> ()
    %dma_start3A = arith.constant 0 : i32
    %dma_start3A_5 = arith.constant 0 : i32
    %dma_start3A_6 = arith.constant 0 : i32
    %dma_start3A_7 = arith.constant 0 : i32
    %dma_start3A_8 = arith.constant 0 : i32
    %dma_start3A_9 = tpu.memref_slice %arg6[%dma_start3A_5, %dma_start3A_7, %dma_start3A_8] : memref<4x128x128xf32, #tpu.memory_space<vmem>> -> memref<1x128x128xf32, #tpu.memory_space<vmem>>
    %dma_start3A_10 = tpu.memref_squeeze %dma_start3A_9 : memref<1x128x128xf32, #tpu.memory_space<vmem>> -> memref<128x128xf32, #tpu.memory_space<vmem>>
    %dma_start3A_11 = arith.constant 0 : i32
    %dma_start3A_12 = tpu.memref_slice %arg5[%dma_start3A, %dma_start3A_11] : memref<4x128xi32, #tpu.memory_space<vmem>> -> memref<1x128xi32, #tpu.memory_space<vmem>>
    %dma_start3A_13 = tpu.memref_squeeze %dma_start3A_12 : memref<1x128xi32, #tpu.memory_space<vmem>> -> memref<128xi32, #tpu.memory_space<vmem>>
    %dma_start3A_14 = arith.constant 0 : i32
    %dma_start3A_15 = arith.constant 0 : i32
    %dma_start3A_16 = tpu.memref_slice %arg3[%dma_start3A_14, %dma_start3A_15] : memref<2244x128xf32, #tpu.memory_space<hbm>> -> memref<2244x128xf32, #tpu.memory_space<hbm>>
    %dma_start3A_17 = tpu.memref_slice %arg7[%dma_start3A_6] : memref<4x!tpu.dma_semaphore, #tpu.memory_space<semaphore_mem>> -> memref<1x!tpu.dma_semaphore, #tpu.memory_space<semaphore_mem>>
    %dma_start3A_18 = tpu.memref_squeeze %dma_start3A_17 : memref<1x!tpu.dma_semaphore, #tpu.memory_space<semaphore_mem>> -> memref<!tpu.dma_semaphore, #tpu.memory_space<semaphore_mem>>
    tpu.enqueue_indirect_dma source(%dma_start3A_16 : memref<2244x128xf32, #tpu.memory_space<hbm>>) target(%dma_start3A_10 : memref<128x128xf32, #tpu.memory_space<vmem>>) offsets(%dma_start3A_13 : memref<128xi32, #tpu.memory_space<vmem>>) semaphore(%dma_start3A_18 : memref<!tpu.dma_semaphore, #tpu.memory_space<semaphore_mem>>)
    %dma_start3A_19 = arith.constant 1 : i32
    %dma_start3A_20 = arith.constant 1 : i32
    %dma_start3A_21 = arith.constant 1 : i32
    %dma_start3A_22 = arith.constant 0 : i32
    %dma_start3A_23 = arith.constant 0 : i32
    %dma_start3A_24 = tpu.memref_slice %arg6[%dma_start3A_20, %dma_start3A_22, %dma_start3A_23] : memref<4x128x128xf32, #tpu.memory_space<vmem>> -> memref<1x128x128xf32, #tpu.memory_space<vmem>>
    %dma_start3A_25 = tpu.memref_squeeze %dma_start3A_24 : memref<1x128x128xf32, #tpu.memory_space<vmem>> -> memref<128x128xf32, #tpu.memory_space<vmem>>
    %dma_start3A_26 = arith.constant 0 : i32
    %dma_start3A_27 = tpu.memref_slice %arg5[%dma_start3A_19, %dma_start3A_26] : memref<4x128xi32, #tpu.memory_space<vmem>> -> memref<1x128xi32, #tpu.memory_space<vmem>>
    %dma_start3A_28 = tpu.memref_squeeze %dma_start3A_27 : memref<1x128xi32, #tpu.memory_space<vmem>> -> memref<128xi32, #tpu.memory_space<vmem>>
    %dma_start3A_29 = arith.constant 0 : i32
    %dma_start3A_30 = arith.constant 0 : i32
    %dma_start3A_31 = tpu.memref_slice %arg3[%dma_start3A_29, %dma_start3A_30] : memref<2244x128xf32, #tpu.memory_space<hbm>> -> memref<2244x128xf32, #tpu.memory_space<hbm>>
    %dma_start3A_32 = tpu.memref_slice %arg7[%dma_start3A_21] : memref<4x!tpu.dma_semaphore, #tpu.memory_space<semaphore_mem>> -> memref<1x!tpu.dma_semaphore, #tpu.memory_space<semaphore_mem>>
    %dma_start3A_33 = tpu.memref_squeeze %dma_start3A_32 : memref<1x!tpu.dma_semaphore, #tpu.memory_space<semaphore_mem>> -> memref<!tpu.dma_semaphore, #tpu.memory_space<semaphore_mem>>
    tpu.enqueue_indirect_dma source(%dma_start3A_31 : memref<2244x128xf32, #tpu.memory_space<hbm>>) target(%dma_start3A_25 : memref<128x128xf32, #tpu.memory_space<vmem>>) offsets(%dma_start3A_28 : memref<128xi32, #tpu.memory_space<vmem>>) semaphore(%dma_start3A_33 : memref<!tpu.dma_semaphore, #tpu.memory_space<semaphore_mem>>)
    %dma_start3A_34 = arith.constant 2 : i32
    %dma_start3A_35 = arith.constant 2 : i32
    %dma_start3A_36 = arith.constant 2 : i32
    %dma_start3A_37 = arith.constant 0 : i32
    %dma_start3A_38 = arith.constant 0 : i32
    %dma_start3A_39 = tpu.memref_slice %arg6[%dma_start3A_35, %dma_start3A_37, %dma_start3A_38] : memref<4x128x128xf32, #tpu.memory_space<vmem>> -> memref<1x128x128xf32, #tpu.memory_space<vmem>>
    %dma_start3A_40 = tpu.memref_squeeze %dma_start3A_39 : memref<1x128x128xf32, #tpu.memory_space<vmem>> -> memref<128x128xf32, #tpu.memory_space<vmem>>
    %dma_start3A_41 = arith.constant 0 : i32
    %dma_start3A_42 = tpu.memref_slice %arg5[%dma_start3A_34, %dma_start3A_41] : memref<4x128xi32, #tpu.memory_space<vmem>> -> memref<1x128xi32, #tpu.memory_space<vmem>>
    %dma_start3A_43 = tpu.memref_squeeze %dma_start3A_42 : memref<1x128xi32, #tpu.memory_space<vmem>> -> memref<128xi32, #tpu.memory_space<vmem>>
    %dma_start3A_44 = arith.constant 0 : i32
    %dma_start3A_45 = arith.constant 0 : i32
    %dma_start3A_46 = tpu.memref_slice %arg3[%dma_start3A_44, %dma_start3A_45] : memref<2244x128xf32, #tpu.memory_space<hbm>> -> memref<2244x128xf32, #tpu.memory_space<hbm>>
    %dma_start3A_47 = tpu.memref_slice %arg7[%dma_start3A_36] : memref<4x!tpu.dma_semaphore, #tpu.memory_space<semaphore_mem>> -> memref<1x!tpu.dma_semaphore, #tpu.memory_space<semaphore_mem>>
    %dma_start3A_48 = tpu.memref_squeeze %dma_start3A_47 : memref<1x!tpu.dma_semaphore, #tpu.memory_space<semaphore_mem>> -> memref<!tpu.dma_semaphore, #tpu.memory_space<semaphore_mem>>
    tpu.enqueue_indirect_dma source(%dma_start3A_46 : memref<2244x128xf32, #tpu.memory_space<hbm>>) target(%dma_start3A_40 : memref<128x128xf32, #tpu.memory_space<vmem>>) offsets(%dma_start3A_43 : memref<128xi32, #tpu.memory_space<vmem>>) semaphore(%dma_start3A_48 : memref<!tpu.dma_semaphore, #tpu.memory_space<semaphore_mem>>)
    %dma_start3A_49 = arith.constant 3 : i32
    %dma_start3A_50 = arith.constant 3 : i32
    %dma_start3A_51 = arith.constant 3 : i32
    %dma_start3A_52 = arith.constant 0 : i32
    %dma_start3A_53 = arith.constant 0 : i32
    %dma_start3A_54 = tpu.memref_slice %arg6[%dma_start3A_50, %dma_start3A_52, %dma_start3A_53] : memref<4x128x128xf32, #tpu.memory_space<vmem>> -> memref<1x128x128xf32, #tpu.memory_space<vmem>>
    %dma_start3A_55 = tpu.memref_squeeze %dma_start3A_54 : memref<1x128x128xf32, #tpu.memory_space<vmem>> -> memref<128x128xf32, #tpu.memory_space<vmem>>
    %dma_start3A_56 = arith.constant 0 : i32
    %dma_start3A_57 = tpu.memref_slice %arg5[%dma_start3A_49, %dma_start3A_56] : memref<4x128xi32, #tpu.memory_space<vmem>> -> memref<1x128xi32, #tpu.memory_space<vmem>>
    %dma_start3A_58 = tpu.memref_squeeze %dma_start3A_57 : memref<1x128xi32, #tpu.memory_space<vmem>> -> memref<128xi32, #tpu.memory_space<vmem>>
    %dma_start3A_59 = arith.constant 0 : i32
    %dma_start3A_60 = arith.constant 0 : i32
    %dma_start3A_61 = tpu.memref_slice %arg3[%dma_start3A_59, %dma_start3A_60] : memref<2244x128xf32, #tpu.memory_space<hbm>> -> memref<2244x128xf32, #tpu.memory_space<hbm>>
    %dma_start3A_62 = tpu.memref_slice %arg7[%dma_start3A_51] : memref<4x!tpu.dma_semaphore, #tpu.memory_space<semaphore_mem>> -> memref<1x!tpu.dma_semaphore, #tpu.memory_space<semaphore_mem>>
    %dma_start3A_63 = tpu.memref_squeeze %dma_start3A_62 : memref<1x!tpu.dma_semaphore, #tpu.memory_space<semaphore_mem>> -> memref<!tpu.dma_semaphore, #tpu.memory_space<semaphore_mem>>
    tpu.enqueue_indirect_dma source(%dma_start3A_61 : memref<2244x128xf32, #tpu.memory_space<hbm>>) target(%dma_start3A_55 : memref<128x128xf32, #tpu.memory_space<vmem>>) offsets(%dma_start3A_58 : memref<128xi32, #tpu.memory_space<vmem>>) semaphore(%dma_start3A_63 : memref<!tpu.dma_semaphore, #tpu.memory_space<semaphore_mem>>)
    %dma_wait3A = arith.constant 0 : i32
    %dma_wait3A_64 = arith.constant 0 : i32
    %dma_wait3A_65 = arith.constant 0 : i32
    %dma_wait3A_66 = arith.constant 0 : i32
    %dma_wait3A_67 = arith.constant 0 : i32
    %dma_wait3A_68 = tpu.memref_slice %arg6[%dma_wait3A_64, %dma_wait3A_66, %dma_wait3A_67] : memref<4x128x128xf32, #tpu.memory_space<vmem>> -> memref<1x128x128xf32, #tpu.memory_space<vmem>>
    %dma_wait3A_69 = tpu.memref_squeeze %dma_wait3A_68 : memref<1x128x128xf32, #tpu.memory_space<vmem>> -> memref<128x128xf32, #tpu.memory_space<vmem>>
    %dma_wait3A_70 = arith.constant 0 : i32
    %dma_wait3A_71 = tpu.memref_slice %arg5[%dma_wait3A, %dma_wait3A_70] : memref<4x128xi32, #tpu.memory_space<vmem>> -> memref<1x128xi32, #tpu.memory_space<vmem>>
    %dma_wait3A_72 = tpu.memref_squeeze %dma_wait3A_71 : memref<1x128xi32, #tpu.memory_space<vmem>> -> memref<128xi32, #tpu.memory_space<vmem>>
    %dma_wait3A_73 = arith.constant 0 : i32
    %dma_wait3A_74 = arith.constant 0 : i32
    %dma_wait3A_75 = tpu.memref_slice %arg3[%dma_wait3A_73, %dma_wait3A_74] : memref<2244x128xf32, #tpu.memory_space<hbm>> -> memref<2244x128xf32, #tpu.memory_space<hbm>>
    %dma_wait3A_76 = tpu.memref_slice %arg7[%dma_wait3A_65] : memref<4x!tpu.dma_semaphore, #tpu.memory_space<semaphore_mem>> -> memref<1x!tpu.dma_semaphore, #tpu.memory_space<semaphore_mem>>
    %dma_wait3A_77 = tpu.memref_squeeze %dma_wait3A_76 : memref<1x!tpu.dma_semaphore, #tpu.memory_space<semaphore_mem>> -> memref<!tpu.dma_semaphore, #tpu.memory_space<semaphore_mem>>
    tpu.wait_indirect_dma semaphore(%dma_wait3A_77 : memref<!tpu.dma_semaphore, #tpu.memory_space<semaphore_mem>>) src(%dma_wait3A_75 : memref<2244x128xf32, #tpu.memory_space<hbm>>) dst(%dma_wait3A_69 : memref<128x128xf32, #tpu.memory_space<vmem>>)
    %add3A_78 = arith.constant 0 : i32
    %add3A_79 = arith.addi %mul3A_2, %add3A_78 : i32
    %dma_start3A_80 = arith.constant 0 : i32
    %dma_start3A_81 = arith.constant 0 : i32
    %dma_start3A_82 = arith.constant 0 : i32
    %dma_start3A_83 = arith.constant 0 : i32
    %dma_start3A_84 = tpu.memref_slice %arg6[%dma_start3A_80, %dma_start3A_82, %dma_start3A_83] : memref<4x128x128xf32, #tpu.memory_space<vmem>> -> memref<1x128x128xf32, #tpu.memory_space<vmem>>
    %dma_start3A_85 = tpu.memref_squeeze %dma_start3A_84 : memref<1x128x128xf32, #tpu.memory_space<vmem>> -> memref<128x128xf32, #tpu.memory_space<vmem>>
    %dma_start3A_86 = arith.constant 0 : i32
    %dma_start3A_87 = tpu.memref_slice %arg4[%add3A_79, %dma_start3A_86] : memref<16384x128xf32, #tpu.memory_space<hbm>> -> memref<128x128xf32, #tpu.memory_space<hbm>>
    %dma_start3A_88 = tpu.memref_slice %arg8[%dma_start3A_81] : memref<4x!tpu.dma_semaphore, #tpu.memory_space<semaphore_mem>> -> memref<1x!tpu.dma_semaphore, #tpu.memory_space<semaphore_mem>>
    %dma_start3A_89 = tpu.memref_squeeze %dma_start3A_88 : memref<1x!tpu.dma_semaphore, #tpu.memory_space<semaphore_mem>> -> memref<!tpu.dma_semaphore, #tpu.memory_space<semaphore_mem>>
    %dma_start3A_90 = arith.constant 0 : i32
    %dma_start3A_91 = tpu.memref_slice %arg4[%add3A_79, %dma_start3A_90] : memref<16384x128xf32, #tpu.memory_space<hbm>> -> memref<128x128xf32, #tpu.memory_space<hbm>>
    %dma_start3A_92 = arith.constant 0 : i32
    %dma_start3A_93 = arith.constant 0 : i32
    %dma_start3A_94 = tpu.memref_slice %arg6[%dma_start3A_80, %dma_start3A_92, %dma_start3A_93] : memref<4x128x128xf32, #tpu.memory_space<vmem>> -> memref<1x128x128xf32, #tpu.memory_space<vmem>>
    %dma_start3A_95 = tpu.memref_squeeze %dma_start3A_94 : memref<1x128x128xf32, #tpu.memory_space<vmem>> -> memref<128x128xf32, #tpu.memory_space<vmem>>
    tpu.enqueue_dma source(%dma_start3A_95 : memref<128x128xf32, #tpu.memory_space<vmem>>) target(%dma_start3A_91 : memref<128x128xf32, #tpu.memory_space<hbm>>) target_semaphore(%dma_start3A_89 : memref<!tpu.dma_semaphore, #tpu.memory_space<semaphore_mem>>)
    %dma_wait3A_96 = arith.constant 1 : i32
    %dma_wait3A_97 = arith.constant 1 : i32
    %dma_wait3A_98 = arith.constant 1 : i32
    %dma_wait3A_99 = arith.constant 0 : i32
    %dma_wait3A_100 = arith.constant 0 : i32
    %dma_wait3A_101 = tpu.memref_slice %arg6[%dma_wait3A_97, %dma_wait3A_99, %dma_wait3A_100] : memref<4x128x128xf32, #tpu.memory_space<vmem>> -> memref<1x128x128xf32, #tpu.memory_space<vmem>>
    %dma_wait3A_102 = tpu.memref_squeeze %dma_wait3A_101 : memref<1x128x128xf32, #tpu.memory_space<vmem>> -> memref<128x128xf32, #tpu.memory_space<vmem>>
    %dma_wait3A_103 = arith.constant 0 : i32
    %dma_wait3A_104 = tpu.memref_slice %arg5[%dma_wait3A_96, %dma_wait3A_103] : memref<4x128xi32, #tpu.memory_space<vmem>> -> memref<1x128xi32, #tpu.memory_space<vmem>>
    %dma_wait3A_105 = tpu.memref_squeeze %dma_wait3A_104 : memref<1x128xi32, #tpu.memory_space<vmem>> -> memref<128xi32, #tpu.memory_space<vmem>>
    %dma_wait3A_106 = arith.constant 0 : i32
    %dma_wait3A_107 = arith.constant 0 : i32
    %dma_wait3A_108 = tpu.memref_slice %arg3[%dma_wait3A_106, %dma_wait3A_107] : memref<2244x128xf32, #tpu.memory_space<hbm>> -> memref<2244x128xf32, #tpu.memory_space<hbm>>
    %dma_wait3A_109 = tpu.memref_slice %arg7[%dma_wait3A_98] : memref<4x!tpu.dma_semaphore, #tpu.memory_space<semaphore_mem>> -> memref<1x!tpu.dma_semaphore, #tpu.memory_space<semaphore_mem>>
    %dma_wait3A_110 = tpu.memref_squeeze %dma_wait3A_109 : memref<1x!tpu.dma_semaphore, #tpu.memory_space<semaphore_mem>> -> memref<!tpu.dma_semaphore, #tpu.memory_space<semaphore_mem>>
    tpu.wait_indirect_dma semaphore(%dma_wait3A_110 : memref<!tpu.dma_semaphore, #tpu.memory_space<semaphore_mem>>) src(%dma_wait3A_108 : memref<2244x128xf32, #tpu.memory_space<hbm>>) dst(%dma_wait3A_102 : memref<128x128xf32, #tpu.memory_space<vmem>>)
    %add3A_111 = arith.constant 128 : i32
    %add3A_112 = arith.addi %mul3A_2, %add3A_111 : i32
    %dma_start3A_113 = arith.constant 1 : i32
    %dma_start3A_114 = arith.constant 1 : i32
    %dma_start3A_115 = arith.constant 0 : i32
    %dma_start3A_116 = arith.constant 0 : i32
    %dma_start3A_117 = tpu.memref_slice %arg6[%dma_start3A_113, %dma_start3A_115, %dma_start3A_116] : memref<4x128x128xf32, #tpu.memory_space<vmem>> -> memref<1x128x128xf32, #tpu.memory_space<vmem>>
    %dma_start3A_118 = tpu.memref_squeeze %dma_start3A_117 : memref<1x128x128xf32, #tpu.memory_space<vmem>> -> memref<128x128xf32, #tpu.memory_space<vmem>>
    %dma_start3A_119 = arith.constant 0 : i32
    %dma_start3A_120 = tpu.memref_slice %arg4[%add3A_112, %dma_start3A_119] : memref<16384x128xf32, #tpu.memory_space<hbm>> -> memref<128x128xf32, #tpu.memory_space<hbm>>
    %dma_start3A_121 = tpu.memref_slice %arg8[%dma_start3A_114] : memref<4x!tpu.dma_semaphore, #tpu.memory_space<semaphore_mem>> -> memref<1x!tpu.dma_semaphore, #tpu.memory_space<semaphore_mem>>
    %dma_start3A_122 = tpu.memref_squeeze %dma_start3A_121 : memref<1x!tpu.dma_semaphore, #tpu.memory_space<semaphore_mem>> -> memref<!tpu.dma_semaphore, #tpu.memory_space<semaphore_mem>>
    %dma_start3A_123 = arith.constant 0 : i32
    %dma_start3A_124 = tpu.memref_slice %arg4[%add3A_112, %dma_start3A_123] : memref<16384x128xf32, #tpu.memory_space<hbm>> -> memref<128x128xf32, #tpu.memory_space<hbm>>
    %dma_start3A_125 = arith.constant 0 : i32
    %dma_start3A_126 = arith.constant 0 : i32
    %dma_start3A_127 = tpu.memref_slice %arg6[%dma_start3A_113, %dma_start3A_125, %dma_start3A_126] : memref<4x128x128xf32, #tpu.memory_space<vmem>> -> memref<1x128x128xf32, #tpu.memory_space<vmem>>
    %dma_start3A_128 = tpu.memref_squeeze %dma_start3A_127 : memref<1x128x128xf32, #tpu.memory_space<vmem>> -> memref<128x128xf32, #tpu.memory_space<vmem>>
    tpu.enqueue_dma source(%dma_start3A_128 : memref<128x128xf32, #tpu.memory_space<vmem>>) target(%dma_start3A_124 : memref<128x128xf32, #tpu.memory_space<hbm>>) target_semaphore(%dma_start3A_122 : memref<!tpu.dma_semaphore, #tpu.memory_space<semaphore_mem>>)
    %dma_wait3A_129 = arith.constant 2 : i32
    %dma_wait3A_130 = arith.constant 2 : i32
    %dma_wait3A_131 = arith.constant 2 : i32
    %dma_wait3A_132 = arith.constant 0 : i32
    %dma_wait3A_133 = arith.constant 0 : i32
    %dma_wait3A_134 = tpu.memref_slice %arg6[%dma_wait3A_130, %dma_wait3A_132, %dma_wait3A_133] : memref<4x128x128xf32, #tpu.memory_space<vmem>> -> memref<1x128x128xf32, #tpu.memory_space<vmem>>
    %dma_wait3A_135 = tpu.memref_squeeze %dma_wait3A_134 : memref<1x128x128xf32, #tpu.memory_space<vmem>> -> memref<128x128xf32, #tpu.memory_space<vmem>>
    %dma_wait3A_136 = arith.constant 0 : i32
    %dma_wait3A_137 = tpu.memref_slice %arg5[%dma_wait3A_129, %dma_wait3A_136] : memref<4x128xi32, #tpu.memory_space<vmem>> -> memref<1x128xi32, #tpu.memory_space<vmem>>
    %dma_wait3A_138 = tpu.memref_squeeze %dma_wait3A_137 : memref<1x128xi32, #tpu.memory_space<vmem>> -> memref<128xi32, #tpu.memory_space<vmem>>
    %dma_wait3A_139 = arith.constant 0 : i32
    %dma_wait3A_140 = arith.constant 0 : i32
    %dma_wait3A_141 = tpu.memref_slice %arg3[%dma_wait3A_139, %dma_wait3A_140] : memref<2244x128xf32, #tpu.memory_space<hbm>> -> memref<2244x128xf32, #tpu.memory_space<hbm>>
    %dma_wait3A_142 = tpu.memref_slice %arg7[%dma_wait3A_131] : memref<4x!tpu.dma_semaphore, #tpu.memory_space<semaphore_mem>> -> memref<1x!tpu.dma_semaphore, #tpu.memory_space<semaphore_mem>>
    %dma_wait3A_143 = tpu.memref_squeeze %dma_wait3A_142 : memref<1x!tpu.dma_semaphore, #tpu.memory_space<semaphore_mem>> -> memref<!tpu.dma_semaphore, #tpu.memory_space<semaphore_mem>>
    tpu.wait_indirect_dma semaphore(%dma_wait3A_143 : memref<!tpu.dma_semaphore, #tpu.memory_space<semaphore_mem>>) src(%dma_wait3A_141 : memref<2244x128xf32, #tpu.memory_space<hbm>>) dst(%dma_wait3A_135 : memref<128x128xf32, #tpu.memory_space<vmem>>)
    %add3A_144 = arith.constant 256 : i32
    %add3A_145 = arith.addi %mul3A_2, %add3A_144 : i32
    %dma_start3A_146 = arith.constant 2 : i32
    %dma_start3A_147 = arith.constant 2 : i32
    %dma_start3A_148 = arith.constant 0 : i32
    %dma_start3A_149 = arith.constant 0 : i32
    %dma_start3A_150 = tpu.memref_slice %arg6[%dma_start3A_146, %dma_start3A_148, %dma_start3A_149] : memref<4x128x128xf32, #tpu.memory_space<vmem>> -> memref<1x128x128xf32, #tpu.memory_space<vmem>>
    %dma_start3A_151 = tpu.memref_squeeze %dma_start3A_150 : memref<1x128x128xf32, #tpu.memory_space<vmem>> -> memref<128x128xf32, #tpu.memory_space<vmem>>
    %dma_start3A_152 = arith.constant 0 : i32
    %dma_start3A_153 = tpu.memref_slice %arg4[%add3A_145, %dma_start3A_152] : memref<16384x128xf32, #tpu.memory_space<hbm>> -> memref<128x128xf32, #tpu.memory_space<hbm>>
    %dma_start3A_154 = tpu.memref_slice %arg8[%dma_start3A_147] : memref<4x!tpu.dma_semaphore, #tpu.memory_space<semaphore_mem>> -> memref<1x!tpu.dma_semaphore, #tpu.memory_space<semaphore_mem>>
    %dma_start3A_155 = tpu.memref_squeeze %dma_start3A_154 : memref<1x!tpu.dma_semaphore, #tpu.memory_space<semaphore_mem>> -> memref<!tpu.dma_semaphore, #tpu.memory_space<semaphore_mem>>
    %dma_start3A_156 = arith.constant 0 : i32
    %dma_start3A_157 = tpu.memref_slice %arg4[%add3A_145, %dma_start3A_156] : memref<16384x128xf32, #tpu.memory_space<hbm>> -> memref<128x128xf32, #tpu.memory_space<hbm>>
    %dma_start3A_158 = arith.constant 0 : i32
    %dma_start3A_159 = arith.constant 0 : i32
    %dma_start3A_160 = tpu.memref_slice %arg6[%dma_start3A_146, %dma_start3A_158, %dma_start3A_159] : memref<4x128x128xf32, #tpu.memory_space<vmem>> -> memref<1x128x128xf32, #tpu.memory_space<vmem>>
    %dma_start3A_161 = tpu.memref_squeeze %dma_start3A_160 : memref<1x128x128xf32, #tpu.memory_space<vmem>> -> memref<128x128xf32, #tpu.memory_space<vmem>>
    tpu.enqueue_dma source(%dma_start3A_161 : memref<128x128xf32, #tpu.memory_space<vmem>>) target(%dma_start3A_157 : memref<128x128xf32, #tpu.memory_space<hbm>>) target_semaphore(%dma_start3A_155 : memref<!tpu.dma_semaphore, #tpu.memory_space<semaphore_mem>>)
    %dma_wait3A_162 = arith.constant 3 : i32
    %dma_wait3A_163 = arith.constant 3 : i32
    %dma_wait3A_164 = arith.constant 3 : i32
    %dma_wait3A_165 = arith.constant 0 : i32
    %dma_wait3A_166 = arith.constant 0 : i32
    %dma_wait3A_167 = tpu.memref_slice %arg6[%dma_wait3A_163, %dma_wait3A_165, %dma_wait3A_166] : memref<4x128x128xf32, #tpu.memory_space<vmem>> -> memref<1x128x128xf32, #tpu.memory_space<vmem>>
    %dma_wait3A_168 = tpu.memref_squeeze %dma_wait3A_167 : memref<1x128x128xf32, #tpu.memory_space<vmem>> -> memref<128x128xf32, #tpu.memory_space<vmem>>
    %dma_wait3A_169 = arith.constant 0 : i32
    %dma_wait3A_170 = tpu.memref_slice %arg5[%dma_wait3A_162, %dma_wait3A_169] : memref<4x128xi32, #tpu.memory_space<vmem>> -> memref<1x128xi32, #tpu.memory_space<vmem>>
    %dma_wait3A_171 = tpu.memref_squeeze %dma_wait3A_170 : memref<1x128xi32, #tpu.memory_space<vmem>> -> memref<128xi32, #tpu.memory_space<vmem>>
    %dma_wait3A_172 = arith.constant 0 : i32
    %dma_wait3A_173 = arith.constant 0 : i32
    %dma_wait3A_174 = tpu.memref_slice %arg3[%dma_wait3A_172, %dma_wait3A_173] : memref<2244x128xf32, #tpu.memory_space<hbm>> -> memref<2244x128xf32, #tpu.memory_space<hbm>>
    %dma_wait3A_175 = tpu.memref_slice %arg7[%dma_wait3A_164] : memref<4x!tpu.dma_semaphore, #tpu.memory_space<semaphore_mem>> -> memref<1x!tpu.dma_semaphore, #tpu.memory_space<semaphore_mem>>
    %dma_wait3A_176 = tpu.memref_squeeze %dma_wait3A_175 : memref<1x!tpu.dma_semaphore, #tpu.memory_space<semaphore_mem>> -> memref<!tpu.dma_semaphore, #tpu.memory_space<semaphore_mem>>
    tpu.wait_indirect_dma semaphore(%dma_wait3A_176 : memref<!tpu.dma_semaphore, #tpu.memory_space<semaphore_mem>>) src(%dma_wait3A_174 : memref<2244x128xf32, #tpu.memory_space<hbm>>) dst(%dma_wait3A_168 : memref<128x128xf32, #tpu.memory_space<vmem>>)
    %add3A_177 = arith.constant 384 : i32
    %add3A_178 = arith.addi %mul3A_2, %add3A_177 : i32
    %dma_start3A_179 = arith.constant 3 : i32
    %dma_start3A_180 = arith.constant 3 : i32
    %dma_start3A_181 = arith.constant 0 : i32
    %dma_start3A_182 = arith.constant 0 : i32
    %dma_start3A_183 = tpu.memref_slice %arg6[%dma_start3A_179, %dma_start3A_181, %dma_start3A_182] : memref<4x128x128xf32, #tpu.memory_space<vmem>> -> memref<1x128x128xf32, #tpu.memory_space<vmem>>
    %dma_start3A_184 = tpu.memref_squeeze %dma_start3A_183 : memref<1x128x128xf32, #tpu.memory_space<vmem>> -> memref<128x128xf32, #tpu.memory_space<vmem>>
    %dma_start3A_185 = arith.constant 0 : i32
    %dma_start3A_186 = tpu.memref_slice %arg4[%add3A_178, %dma_start3A_185] : memref<16384x128xf32, #tpu.memory_space<hbm>> -> memref<128x128xf32, #tpu.memory_space<hbm>>
    %dma_start3A_187 = tpu.memref_slice %arg8[%dma_start3A_180] : memref<4x!tpu.dma_semaphore, #tpu.memory_space<semaphore_mem>> -> memref<1x!tpu.dma_semaphore, #tpu.memory_space<semaphore_mem>>
    %dma_start3A_188 = tpu.memref_squeeze %dma_start3A_187 : memref<1x!tpu.dma_semaphore, #tpu.memory_space<semaphore_mem>> -> memref<!tpu.dma_semaphore, #tpu.memory_space<semaphore_mem>>
    %dma_start3A_189 = arith.constant 0 : i32
    %dma_start3A_190 = tpu.memref_slice %arg4[%add3A_178, %dma_start3A_189] : memref<16384x128xf32, #tpu.memory_space<hbm>> -> memref<128x128xf32, #tpu.memory_space<hbm>>
    %dma_start3A_191 = arith.constant 0 : i32
    %dma_start3A_192 = arith.constant 0 : i32
    %dma_start3A_193 = tpu.memref_slice %arg6[%dma_start3A_179, %dma_start3A_191, %dma_start3A_192] : memref<4x128x128xf32, #tpu.memory_space<vmem>> -> memref<1x128x128xf32, #tpu.memory_space<vmem>>
    %dma_start3A_194 = tpu.memref_squeeze %dma_start3A_193 : memref<1x128x128xf32, #tpu.memory_space<vmem>> -> memref<128x128xf32, #tpu.memory_space<vmem>>
    tpu.enqueue_dma source(%dma_start3A_194 : memref<128x128xf32, #tpu.memory_space<vmem>>) target(%dma_start3A_190 : memref<128x128xf32, #tpu.memory_space<hbm>>) target_semaphore(%dma_start3A_188 : memref<!tpu.dma_semaphore, #tpu.memory_space<semaphore_mem>>)
    %dma_wait3A_195 = arith.constant 0 : i32
    %dma_wait3A_196 = arith.constant 0 : i32
    %dma_wait3A_197 = arith.constant 0 : i32
    %dma_wait3A_198 = arith.constant 0 : i32
    %dma_wait3A_199 = tpu.memref_slice %arg6[%dma_wait3A_195, %dma_wait3A_197, %dma_wait3A_198] : memref<4x128x128xf32, #tpu.memory_space<vmem>> -> memref<1x128x128xf32, #tpu.memory_space<vmem>>
    %dma_wait3A_200 = tpu.memref_squeeze %dma_wait3A_199 : memref<1x128x128xf32, #tpu.memory_space<vmem>> -> memref<128x128xf32, #tpu.memory_space<vmem>>
    %dma_wait3A_201 = arith.constant 0 : i32
    %dma_wait3A_202 = tpu.memref_slice %arg4[%add3A_79, %dma_wait3A_201] : memref<16384x128xf32, #tpu.memory_space<hbm>> -> memref<128x128xf32, #tpu.memory_space<hbm>>
    %dma_wait3A_203 = tpu.memref_slice %arg8[%dma_wait3A_196] : memref<4x!tpu.dma_semaphore, #tpu.memory_space<semaphore_mem>> -> memref<1x!tpu.dma_semaphore, #tpu.memory_space<semaphore_mem>>
    %dma_wait3A_204 = tpu.memref_squeeze %dma_wait3A_203 : memref<1x!tpu.dma_semaphore, #tpu.memory_space<semaphore_mem>> -> memref<!tpu.dma_semaphore, #tpu.memory_space<semaphore_mem>>
    %dma_wait3A_205 = arith.constant 0 : i32
    %dma_wait3A_206 = tpu.memref_slice %arg4[%add3A_79, %dma_wait3A_205] : memref<16384x128xf32, #tpu.memory_space<hbm>> -> memref<128x128xf32, #tpu.memory_space<hbm>>
    %dma_wait3A_207 = arith.constant 0 : i32
    %dma_wait3A_208 = arith.constant 0 : i32
    %dma_wait3A_209 = tpu.memref_slice %arg6[%dma_wait3A_195, %dma_wait3A_207, %dma_wait3A_208] : memref<4x128x128xf32, #tpu.memory_space<vmem>> -> memref<1x128x128xf32, #tpu.memory_space<vmem>>
    %dma_wait3A_210 = tpu.memref_squeeze %dma_wait3A_209 : memref<1x128x128xf32, #tpu.memory_space<vmem>> -> memref<128x128xf32, #tpu.memory_space<vmem>>
    tpu.wait_dma2 semaphore(%dma_wait3A_204 : memref<!tpu.dma_semaphore, #tpu.memory_space<semaphore_mem>>) src(%dma_wait3A_210 : memref<128x128xf32, #tpu.memory_space<vmem>>) dst(%dma_wait3A_206 : memref<128x128xf32, #tpu.memory_space<hbm>>)
    %dma_wait3A_211 = arith.constant 1 : i32
    %dma_wait3A_212 = arith.constant 1 : i32
    %dma_wait3A_213 = arith.constant 0 : i32
    %dma_wait3A_214 = arith.constant 0 : i32
    %dma_wait3A_215 = tpu.memref_slice %arg6[%dma_wait3A_211, %dma_wait3A_213, %dma_wait3A_214] : memref<4x128x128xf32, #tpu.memory_space<vmem>> -> memref<1x128x128xf32, #tpu.memory_space<vmem>>
    %dma_wait3A_216 = tpu.memref_squeeze %dma_wait3A_215 : memref<1x128x128xf32, #tpu.memory_space<vmem>> -> memref<128x128xf32, #tpu.memory_space<vmem>>
    %dma_wait3A_217 = arith.constant 0 : i32
    %dma_wait3A_218 = tpu.memref_slice %arg4[%add3A_112, %dma_wait3A_217] : memref<16384x128xf32, #tpu.memory_space<hbm>> -> memref<128x128xf32, #tpu.memory_space<hbm>>
    %dma_wait3A_219 = tpu.memref_slice %arg8[%dma_wait3A_212] : memref<4x!tpu.dma_semaphore, #tpu.memory_space<semaphore_mem>> -> memref<1x!tpu.dma_semaphore, #tpu.memory_space<semaphore_mem>>
    %dma_wait3A_220 = tpu.memref_squeeze %dma_wait3A_219 : memref<1x!tpu.dma_semaphore, #tpu.memory_space<semaphore_mem>> -> memref<!tpu.dma_semaphore, #tpu.memory_space<semaphore_mem>>
    %dma_wait3A_221 = arith.constant 0 : i32
    %dma_wait3A_222 = tpu.memref_slice %arg4[%add3A_112, %dma_wait3A_221] : memref<16384x128xf32, #tpu.memory_space<hbm>> -> memref<128x128xf32, #tpu.memory_space<hbm>>
    %dma_wait3A_223 = arith.constant 0 : i32
    %dma_wait3A_224 = arith.constant 0 : i32
    %dma_wait3A_225 = tpu.memref_slice %arg6[%dma_wait3A_211, %dma_wait3A_223, %dma_wait3A_224] : memref<4x128x128xf32, #tpu.memory_space<vmem>> -> memref<1x128x128xf32, #tpu.memory_space<vmem>>
    %dma_wait3A_226 = tpu.memref_squeeze %dma_wait3A_225 : memref<1x128x128xf32, #tpu.memory_space<vmem>> -> memref<128x128xf32, #tpu.memory_space<vmem>>
    tpu.wait_dma2 semaphore(%dma_wait3A_220 : memref<!tpu.dma_semaphore, #tpu.memory_space<semaphore_mem>>) src(%dma_wait3A_226 : memref<128x128xf32, #tpu.memory_space<vmem>>) dst(%dma_wait3A_222 : memref<128x128xf32, #tpu.memory_space<hbm>>)
    %dma_wait3A_227 = arith.constant 2 : i32
    %dma_wait3A_228 = arith.constant 2 : i32
    %dma_wait3A_229 = arith.constant 0 : i32
    %dma_wait3A_230 = arith.constant 0 : i32
    %dma_wait3A_231 = tpu.memref_slice %arg6[%dma_wait3A_227, %dma_wait3A_229, %dma_wait3A_230] : memref<4x128x128xf32, #tpu.memory_space<vmem>> -> memref<1x128x128xf32, #tpu.memory_space<vmem>>
    %dma_wait3A_232 = tpu.memref_squeeze %dma_wait3A_231 : memref<1x128x128xf32, #tpu.memory_space<vmem>> -> memref<128x128xf32, #tpu.memory_space<vmem>>
    %dma_wait3A_233 = arith.constant 0 : i32
    %dma_wait3A_234 = tpu.memref_slice %arg4[%add3A_145, %dma_wait3A_233] : memref<16384x128xf32, #tpu.memory_space<hbm>> -> memref<128x128xf32, #tpu.memory_space<hbm>>
    %dma_wait3A_235 = tpu.memref_slice %arg8[%dma_wait3A_228] : memref<4x!tpu.dma_semaphore, #tpu.memory_space<semaphore_mem>> -> memref<1x!tpu.dma_semaphore, #tpu.memory_space<semaphore_mem>>
    %dma_wait3A_236 = tpu.memref_squeeze %dma_wait3A_235 : memref<1x!tpu.dma_semaphore, #tpu.memory_space<semaphore_mem>> -> memref<!tpu.dma_semaphore, #tpu.memory_space<semaphore_mem>>
    %dma_wait3A_237 = arith.constant 0 : i32
    %dma_wait3A_238 = tpu.memref_slice %arg4[%add3A_145, %dma_wait3A_237] : memref<16384x128xf32, #tpu.memory_space<hbm>> -> memref<128x128xf32, #tpu.memory_space<hbm>>
    %dma_wait3A_239 = arith.constant 0 : i32
    %dma_wait3A_240 = arith.constant 0 : i32
    %dma_wait3A_241 = tpu.memref_slice %arg6[%dma_wait3A_227, %dma_wait3A_239, %dma_wait3A_240] : memref<4x128x128xf32, #tpu.memory_space<vmem>> -> memref<1x128x128xf32, #tpu.memory_space<vmem>>
    %dma_wait3A_242 = tpu.memref_squeeze %dma_wait3A_241 : memref<1x128x128xf32, #tpu.memory_space<vmem>> -> memref<128x128xf32, #tpu.memory_space<vmem>>
    tpu.wait_dma2 semaphore(%dma_wait3A_236 : memref<!tpu.dma_semaphore, #tpu.memory_space<semaphore_mem>>) src(%dma_wait3A_242 : memref<128x128xf32, #tpu.memory_space<vmem>>) dst(%dma_wait3A_238 : memref<128x128xf32, #tpu.memory_space<hbm>>)
    %dma_wait3A_243 = arith.constant 3 : i32
    %dma_wait3A_244 = arith.constant 3 : i32
    %dma_wait3A_245 = arith.constant 0 : i32
    %dma_wait3A_246 = arith.constant 0 : i32
    %dma_wait3A_247 = tpu.memref_slice %arg6[%dma_wait3A_243, %dma_wait3A_245, %dma_wait3A_246] : memref<4x128x128xf32, #tpu.memory_space<vmem>> -> memref<1x128x128xf32, #tpu.memory_space<vmem>>
    %dma_wait3A_248 = tpu.memref_squeeze %dma_wait3A_247 : memref<1x128x128xf32, #tpu.memory_space<vmem>> -> memref<128x128xf32, #tpu.memory_space<vmem>>
    %dma_wait3A_249 = arith.constant 0 : i32
    %dma_wait3A_250 = tpu.memref_slice %arg4[%add3A_178, %dma_wait3A_249] : memref<16384x128xf32, #tpu.memory_space<hbm>> -> memref<128x128xf32, #tpu.memory_space<hbm>>
    %dma_wait3A_251 = tpu.memref_slice %arg8[%dma_wait3A_244] : memref<4x!tpu.dma_semaphore, #tpu.memory_space<semaphore_mem>> -> memref<1x!tpu.dma_semaphore, #tpu.memory_space<semaphore_mem>>
    %dma_wait3A_252 = tpu.memref_squeeze %dma_wait3A_251 : memref<1x!tpu.dma_semaphore, #tpu.memory_space<semaphore_mem>> -> memref<!tpu.dma_semaphore, #tpu.memory_space<semaphore_mem>>
    %dma_wait3A_253 = arith.constant 0 : i32
    %dma_wait3A_254 = tpu.memref_slice %arg4[%add3A_178, %dma_wait3A_253] : memref<16384x128xf32, #tpu.memory_space<hbm>> -> memref<128x128xf32, #tpu.memory_space<hbm>>
    %dma_wait3A_255 = arith.constant 0 : i32
    %dma_wait3A_256 = arith.constant 0 : i32
    %dma_wait3A_257 = tpu.memref_slice %arg6[%dma_wait3A_243, %dma_wait3A_255, %dma_wait3A_256] : memref<4x128x128xf32, #tpu.memory_space<vmem>> -> memref<1x128x128xf32, #tpu.memory_space<vmem>>
    %dma_wait3A_258 = tpu.memref_squeeze %dma_wait3A_257 : memref<1x128x128xf32, #tpu.memory_space<vmem>> -> memref<128x128xf32, #tpu.memory_space<vmem>>
    tpu.wait_dma2 semaphore(%dma_wait3A_252 : memref<!tpu.dma_semaphore, #tpu.memory_space<semaphore_mem>>) src(%dma_wait3A_258 : memref<128x128xf32, #tpu.memory_space<vmem>>) dst(%dma_wait3A_254 : memref<128x128xf32, #tpu.memory_space<hbm>>)
    return
  }
}

module attributes {stable_mosaic.version = 14 : i64} {
  func.func @_prep_body(%arg0: memref<102x32xf32, #tpu.memory_space<vmem>>, %arg1: memref<22x32xf32, #tpu.memory_space<vmem>>, %arg2: memref<12x32xf32, #tpu.memory_space<vmem>>, %arg3: memref<15x32xf32, #tpu.memory_space<vmem>>, %arg4: memref<1x32xf32, #tpu.memory_space<vmem>>, %arg5: memref<12x32xf32, #tpu.memory_space<vmem>>, %arg6: memref<1x32xf32, #tpu.memory_space<vmem>>, %arg7: memref<160x128xf32, #tpu.memory_space<vmem>>, %arg8: memref<1x128xf32, #tpu.memory_space<vmem>>, %arg9: memref<128x128xi32, #tpu.memory_space<vmem>>, %arg10: memref<128x128xi32, #tpu.memory_space<vmem>>, %arg11: memref<2244x128xf32, #tpu.memory_space<vmem>>, %arg12: memref<12x128xf32, #tpu.memory_space<vmem>>, %arg13: memref<15x128xf32, #tpu.memory_space<vmem>>, %arg14: memref<12x128xf32, #tpu.memory_space<vmem>>, %arg15: memref<128x128xi32, #tpu.memory_space<vmem>>) attributes {dimension_semantics = [], scalar_prefetch = 0 : i64, scratch_operands = 0 : i64, tpu.core_type = #tpu.core_type<tc>} {
    %get3A = arith.constant 0 : index
    %get3A_0 = arith.constant 0 : index
    %get3A_1 = vector.load %arg7[%get3A, %get3A_0] : memref<160x128xf32, #tpu.memory_space<vmem>>, vector<160x128xf32>
    %get3A_2 = arith.constant 0 : index
    %get3A_3 = arith.constant 0 : index
    %get3A_4 = vector.load %arg0[%get3A_2, %get3A_3] : memref<102x32xf32, #tpu.memory_space<vmem>>, vector<102x32xf32>
    %slice3A = vector.extract_strided_slice %get3A_1 {offsets = [0, 0], sizes = [32, 128], strides = [1, 1]} : vector<160x128xf32> to vector<32x128xf32>
    %dot_general3A = arith.constant dense<0.000000e+00> : vector<102x128xf32>
    %dot_general3A_5 = tpu.matmul %get3A_4, %slice3A, %dot_general3A {dimension_numbers = #tpu.dot_dimension_numbers<[1], [0], [0], [1], [0, 0, 1, 1], [], []>, transpose_lhs_hint = false} : vector<102x32xf32>, vector<32x128xf32>, vector<102x128xf32> -> vector<102x128xf32>
    %get3A_6 = arith.constant 0 : index
    %get3A_7 = arith.constant 0 : index
    %get3A_8 = vector.load %arg1[%get3A_6, %get3A_7] : memref<22x32xf32, #tpu.memory_space<vmem>>, vector<22x32xf32>
    %slice3A_9 = vector.extract_strided_slice %get3A_1 {offsets = [32, 0], sizes = [32, 128], strides = [1, 1]} : vector<160x128xf32> to vector<32x128xf32>
    %dot_general3A_10 = arith.constant dense<0.000000e+00> : vector<22x128xf32>
    %dot_general3A_11 = tpu.matmul %get3A_8, %slice3A_9, %dot_general3A_10 {dimension_numbers = #tpu.dot_dimension_numbers<[1], [0], [0], [1], [0, 0, 1, 1], [], []>, transpose_lhs_hint = false} : vector<22x32xf32>, vector<32x128xf32>, vector<22x128xf32> -> vector<22x128xf32>
    %get3A_12 = arith.constant 0 : index
    %get3A_13 = arith.constant 0 : index
    %get3A_14 = vector.load %arg8[%get3A_12, %get3A_13] : memref<1x128xf32, #tpu.memory_space<vmem>>, vector<1x128xf32>
    %get3A_15 = arith.constant 0 : index
    %get3A_16 = arith.constant 0 : index
    %get3A_17 = vector.load %arg4[%get3A_15, %get3A_16] : memref<1x32xf32, #tpu.memory_space<vmem>>, vector<1x32xf32>
    %slice3A_18 = vector.extract_strided_slice %get3A_1 {offsets = [96, 0], sizes = [32, 128], strides = [1, 1]} : vector<160x128xf32> to vector<32x128xf32>
    %dot_general3A_19 = arith.constant dense<0.000000e+00> : vector<1x128xf32>
    %dot_general3A_20 = tpu.matmul %get3A_17, %slice3A_18, %dot_general3A_19 {dimension_numbers = #tpu.dot_dimension_numbers<[1], [0], [0], [1], [0, 0, 1, 1], [], []>, transpose_lhs_hint = false} : vector<1x32xf32>, vector<32x128xf32>, vector<1x128xf32> -> vector<1x128xf32>
    %add3A = arith.addf %get3A_14, %dot_general3A_20 : vector<1x128xf32>
    %get3A_21 = arith.constant 0 : index
    %get3A_22 = arith.constant 0 : index
    %get3A_23 = vector.load %arg6[%get3A_21, %get3A_22] : memref<1x32xf32, #tpu.memory_space<vmem>>, vector<1x32xf32>
    %slice3A_24 = vector.extract_strided_slice %get3A_1 {offsets = [128, 0], sizes = [32, 128], strides = [1, 1]} : vector<160x128xf32> to vector<32x128xf32>
    %dot_general3A_25 = arith.constant dense<0.000000e+00> : vector<1x128xf32>
    %dot_general3A_26 = tpu.matmul %get3A_23, %slice3A_24, %dot_general3A_25 {dimension_numbers = #tpu.dot_dimension_numbers<[1], [0], [0], [1], [0, 0, 1, 1], [], []>, transpose_lhs_hint = false} : vector<1x32xf32>, vector<32x128xf32>, vector<1x128xf32> -> vector<1x128xf32>
    %add3A_27 = arith.addf %add3A, %dot_general3A_26 : vector<1x128xf32>
    %get3A_28 = arith.constant 0 : index
    %get3A_29 = arith.constant 0 : index
    %get3A_30 = vector.load %arg2[%get3A_28, %get3A_29] : memref<12x32xf32, #tpu.memory_space<vmem>>, vector<12x32xf32>
    %slice3A_31 = vector.extract_strided_slice %get3A_1 {offsets = [64, 0], sizes = [32, 128], strides = [1, 1]} : vector<160x128xf32> to vector<32x128xf32>
    %dot_general3A_32 = arith.constant dense<0.000000e+00> : vector<12x128xf32>
    %dot_general3A_33 = tpu.matmul %get3A_30, %slice3A_31, %dot_general3A_32 {dimension_numbers = #tpu.dot_dimension_numbers<[1], [0], [0], [1], [0, 0, 1, 1], [], []>, transpose_lhs_hint = false} : vector<12x32xf32>, vector<32x128xf32>, vector<12x128xf32> -> vector<12x128xf32>
    %add3A_34 = vector.broadcast %add3A_27 : vector<1x128xf32> to vector<12x128xf32>
    %add3A_35 = arith.addf %dot_general3A_33, %add3A_34 : vector<12x128xf32>
    %swap3A = arith.constant 0 : index
    %swap3A_36 = arith.constant 0 : index
    %swap3A_37 = vector.load %arg12[%swap3A, %swap3A_36] : memref<12x128xf32, #tpu.memory_space<vmem>>, vector<12x128xf32>
    tpu.vector_store %arg12[%swap3A, %swap3A_36], %add3A_35 {strides = array<i32>} : memref<12x128xf32, #tpu.memory_space<vmem>>, vector<12x128xf32>,
    %broadcast_in_dim3A = vector.shape_cast %dot_general3A_5 : vector<102x128xf32> to vector<102x1x128xf32>
    %broadcast_in_dim3A_38 = vector.shape_cast %dot_general3A_11 : vector<22x128xf32> to vector<1x22x128xf32>
    %add3A_39 = vector.broadcast %broadcast_in_dim3A : vector<102x1x128xf32> to vector<102x22x128xf32>
    %add3A_40 = vector.broadcast %broadcast_in_dim3A_38 : vector<1x22x128xf32> to vector<102x22x128xf32>
    %add3A_41 = arith.addf %add3A_39, %add3A_40 : vector<102x22x128xf32>
    %reshape3A = vector.shape_cast %add3A_41 : vector<102x22x128xf32> to vector<2244x128xf32>
    %swap3A_42 = arith.constant 0 : index
    %swap3A_43 = arith.constant 0 : index
    %swap3A_44 = vector.load %arg11[%swap3A_42, %swap3A_43] : memref<2244x128xf32, #tpu.memory_space<vmem>>, vector<2244x128xf32>
    tpu.vector_store %arg11[%swap3A_42, %swap3A_43], %reshape3A {strides = array<i32>} : memref<2244x128xf32, #tpu.memory_space<vmem>>, vector<2244x128xf32>,
    %get3A_45 = arith.constant 0 : index
    %get3A_46 = arith.constant 0 : index
    %get3A_47 = vector.load %arg3[%get3A_45, %get3A_46] : memref<15x32xf32, #tpu.memory_space<vmem>>, vector<15x32xf32>
    %slice3A_48 = vector.extract_strided_slice %get3A_1 {offsets = [96, 0], sizes = [32, 128], strides = [1, 1]} : vector<160x128xf32> to vector<32x128xf32>
    %dot_general3A_49 = arith.constant dense<0.000000e+00> : vector<15x128xf32>
    %dot_general3A_50 = tpu.matmul %get3A_47, %slice3A_48, %dot_general3A_49 {dimension_numbers = #tpu.dot_dimension_numbers<[1], [0], [0], [1], [0, 0, 1, 1], [], []>, transpose_lhs_hint = false} : vector<15x32xf32>, vector<32x128xf32>, vector<15x128xf32> -> vector<15x128xf32>
    %swap3A_51 = arith.constant 0 : index
    %swap3A_52 = arith.constant 0 : index
    %swap3A_53 = vector.load %arg13[%swap3A_51, %swap3A_52] : memref<15x128xf32, #tpu.memory_space<vmem>>, vector<15x128xf32>
    tpu.vector_store %arg13[%swap3A_51, %swap3A_52], %dot_general3A_50 {strides = array<i32>} : memref<15x128xf32, #tpu.memory_space<vmem>>, vector<15x128xf32>,
    %get3A_54 = arith.constant 0 : index
    %get3A_55 = arith.constant 0 : index
    %get3A_56 = vector.load %arg5[%get3A_54, %get3A_55] : memref<12x32xf32, #tpu.memory_space<vmem>>, vector<12x32xf32>
    %slice3A_57 = vector.extract_strided_slice %get3A_1 {offsets = [128, 0], sizes = [32, 128], strides = [1, 1]} : vector<160x128xf32> to vector<32x128xf32>
    %dot_general3A_58 = arith.constant dense<0.000000e+00> : vector<12x128xf32>
    %dot_general3A_59 = tpu.matmul %get3A_56, %slice3A_57, %dot_general3A_58 {dimension_numbers = #tpu.dot_dimension_numbers<[1], [0], [0], [1], [0, 0, 1, 1], [], []>, transpose_lhs_hint = false} : vector<12x32xf32>, vector<32x128xf32>, vector<12x128xf32> -> vector<12x128xf32>
    %swap3A_60 = arith.constant 0 : index
    %swap3A_61 = arith.constant 0 : index
    %swap3A_62 = vector.load %arg14[%swap3A_60, %swap3A_61] : memref<12x128xf32, #tpu.memory_space<vmem>>, vector<12x128xf32>
    tpu.vector_store %arg14[%swap3A_60, %swap3A_61], %dot_general3A_59 {strides = array<i32>} : memref<12x128xf32, #tpu.memory_space<vmem>>, vector<12x128xf32>,
    %get3A_63 = arith.constant 0 : index
    %get3A_64 = arith.constant 0 : index
    %get3A_65 = vector.load %arg9[%get3A_63, %get3A_64] : memref<128x128xi32, #tpu.memory_space<vmem>>, vector<128x128xi32>
    %mul3A = arith.constant 22 : i32
    %mul3A_66 = vector.broadcast %mul3A : i32 to vector<128x128xi32>
    %mul3A_67 = arith.muli %get3A_65, %mul3A_66 : vector<128x128xi32>
    %get3A_68 = arith.constant 0 : index
    %get3A_69 = arith.constant 0 : index
    %get3A_70 = vector.load %arg10[%get3A_68, %get3A_69] : memref<128x128xi32, #tpu.memory_space<vmem>>, vector<128x128xi32>
    %add3A_71 = arith.addi %mul3A_67, %get3A_70 : vector<128x128xi32>
    %swap3A_72 = arith.constant 0 : index
    %swap3A_73 = arith.constant 0 : index
    %swap3A_74 = vector.load %arg15[%swap3A_72, %swap3A_73] : memref<128x128xi32, #tpu.memory_space<vmem>>, vector<128x128xi32>
    tpu.vector_store %arg15[%swap3A_72, %swap3A_73], %add3A_71 {strides = array<i32>} : memref<128x128xi32, #tpu.memory_space<vmem>>, vector<128x128xi32>,
    return
  }
}

module attributes {stable_mosaic.version = 14 : i64} {
  func.func @_tail_body(%arg0: i32, %arg1: memref<4096x128xf32, #tpu.memory_space<vmem>>, %arg2: memref<1x1x4096xi32, #tpu.memory_space<vmem>>, %arg3: memref<4096x15xf32, #tpu.memory_space<vmem>>, %arg4: memref<4096x12xf32, #tpu.memory_space<vmem>>, %arg5: memref<12x128xf32, #tpu.memory_space<vmem>>, %arg6: memref<15x128xf32, #tpu.memory_space<vmem>>, %arg7: memref<12x128xf32, #tpu.memory_space<vmem>>, %arg8: memref<128x64xf32, #tpu.memory_space<vmem>>, %arg9: memref<1x64xf32, #tpu.memory_space<vmem>>, %arg10: memref<64x32xf32, #tpu.memory_space<vmem>>, %arg11: memref<1x32xf32, #tpu.memory_space<vmem>>, %arg12: memref<4096x32xf32, #tpu.memory_space<vmem>>) attributes {dimension_semantics = [#tpu.dimension_semantics<arbitrary>], iteration_bounds = array<i64: 4>, scalar_prefetch = 0 : i64, scratch_operands = 0 : i64, tpu.core_type = #tpu.core_type<tc>, window_params = [{transform_indices = @transform_0, window_bounds = array<i64: 4096, 128>}, {transform_indices = @transform_1, window_bounds = array<i64: 1, 1, 4096>}, {transform_indices = @transform_2, window_bounds = array<i64: 4096, 15>}, {transform_indices = @transform_3, window_bounds = array<i64: 4096, 12>}, {pipeline_mode = #tpu.pipeline_mode<synchronous>, transform_indices = @transform_4, window_bounds = array<i64: 12, 128>}, {pipeline_mode = #tpu.pipeline_mode<synchronous>, transform_indices = @transform_5, window_bounds = array<i64: 15, 128>}, {pipeline_mode = #tpu.pipeline_mode<synchronous>, transform_indices = @transform_6, window_bounds = array<i64: 12, 128>}, {pipeline_mode = #tpu.pipeline_mode<synchronous>, transform_indices = @transform_7, window_bounds = array<i64: 128, 64>}, {pipeline_mode = #tpu.pipeline_mode<synchronous>, transform_indices = @transform_8, window_bounds = array<i64: 1, 64>}, {pipeline_mode = #tpu.pipeline_mode<synchronous>, transform_indices = @transform_9, window_bounds = array<i64: 64, 32>}, {pipeline_mode = #tpu.pipeline_mode<synchronous>, transform_indices = @transform_10, window_bounds = array<i64: 1, 32>}, {transform_indices = @transform_11, window_bounds = array<i64: 4096, 32>}]} {
    %get3A = arith.constant 0 : index
    %get3A_0 = arith.constant 0 : index
    %get3A_1 = arith.constant 0 : index
    %get3A_2 = vector.load %arg2[%get3A, %get3A_0, %get3A_1] : memref<1x1x4096xi32, #tpu.memory_space<vmem>>, vector<1x1x4096xi32>
    %get3A_3 = vector.shape_cast %get3A_2 : vector<1x1x4096xi32> to vector<4096xi32>
    %broadcast_in_dim3A = vector.shape_cast %get3A_3 : vector<4096xi32> to vector<4096x1xi32>
    %iota3A = tpu.iota {dimensions = array<i32: 1>} : vector<4096x12xi32>
    %eq3A = vector.broadcast %broadcast_in_dim3A : vector<4096x1xi32> to vector<4096x12xi32>
    %eq3A_4 = arith.cmpi eq, %eq3A, %iota3A : vector<4096x12xi32>
    %convert_element_type3A = arith.extui %eq3A_4 : vector<4096x12xi1> to vector<4096x12xi32>
    %convert_element_type3A_5 = arith.sitofp %convert_element_type3A : vector<4096x12xi32> to vector<4096x12xf32>
    %get3A_6 = arith.constant 0 : index
    %get3A_7 = arith.constant 0 : index
    %get3A_8 = vector.load %arg1[%get3A_6, %get3A_7] : memref<4096x128xf32, #tpu.memory_space<vmem>>, vector<4096x128xf32>
    %get3A_9 = arith.constant 0 : index
    %get3A_10 = arith.constant 0 : index
    %get3A_11 = vector.load %arg5[%get3A_9, %get3A_10] : memref<12x128xf32, #tpu.memory_space<vmem>>, vector<12x128xf32>
    %dot_general3A = arith.constant dense<0.000000e+00> : vector<4096x128xf32>
    %dot_general3A_12 = tpu.matmul %convert_element_type3A_5, %get3A_11, %dot_general3A {dimension_numbers = #tpu.dot_dimension_numbers<[1], [0], [0], [1], [0, 0, 1, 1], [], []>, transpose_lhs_hint = false} : vector<4096x12xf32>, vector<12x128xf32>, vector<4096x128xf32> -> vector<4096x128xf32>
    %add3A = arith.addf %get3A_8, %dot_general3A_12 : vector<4096x128xf32>
    %get3A_13 = arith.constant 0 : index
    %get3A_14 = arith.constant 0 : index
    %get3A_15 = vector.load %arg3[%get3A_13, %get3A_14] : memref<4096x15xf32, #tpu.memory_space<vmem>>, vector<4096x15xf32>
    %get3A_16 = arith.constant 0 : index
    %get3A_17 = arith.constant 0 : index
    %get3A_18 = vector.load %arg6[%get3A_16, %get3A_17] : memref<15x128xf32, #tpu.memory_space<vmem>>, vector<15x128xf32>
    %dot_general3A_19 = arith.constant dense<0.000000e+00> : vector<4096x128xf32>
    %dot_general3A_20 = tpu.matmul %get3A_15, %get3A_18, %dot_general3A_19 {dimension_numbers = #tpu.dot_dimension_numbers<[1], [0], [0], [1], [0, 0, 1, 1], [], []>, transpose_lhs_hint = false} : vector<4096x15xf32>, vector<15x128xf32>, vector<4096x128xf32> -> vector<4096x128xf32>
    %add3A_21 = arith.addf %add3A, %dot_general3A_20 : vector<4096x128xf32>
    %get3A_22 = arith.constant 0 : index
    %get3A_23 = arith.constant 0 : index
    %get3A_24 = vector.load %arg4[%get3A_22, %get3A_23] : memref<4096x12xf32, #tpu.memory_space<vmem>>, vector<4096x12xf32>
    %get3A_25 = arith.constant 0 : index
    %get3A_26 = arith.constant 0 : index
    %get3A_27 = vector.load %arg7[%get3A_25, %get3A_26] : memref<12x128xf32, #tpu.memory_space<vmem>>, vector<12x128xf32>
    %dot_general3A_28 = arith.constant dense<0.000000e+00> : vector<4096x128xf32>
    %dot_general3A_29 = tpu.matmul %get3A_24, %get3A_27, %dot_general3A_28 {dimension_numbers = #tpu.dot_dimension_numbers<[1], [0], [0], [1], [0, 0, 1, 1], [], []>, transpose_lhs_hint = false} : vector<4096x12xf32>, vector<12x128xf32>, vector<4096x128xf32> -> vector<4096x128xf32>
    %add3A_30 = arith.addf %add3A_21, %dot_general3A_29 : vector<4096x128xf32>
    %max3A = arith.constant 0.000000e+00 : f32
    %max3A_31 = vector.broadcast %max3A : f32 to vector<4096x128xf32>
    %max3A_32 = arith.maximumf %add3A_30, %max3A_31 : vector<4096x128xf32>
    %get3A_33 = arith.constant 0 : index
    %get3A_34 = arith.constant 0 : index
    %get3A_35 = vector.load %arg8[%get3A_33, %get3A_34] : memref<128x64xf32, #tpu.memory_space<vmem>>, vector<128x64xf32>
    %dot_general3A_36 = arith.constant dense<0.000000e+00> : vector<4096x64xf32>
    %dot_general3A_37 = tpu.matmul %max3A_32, %get3A_35, %dot_general3A_36 {dimension_numbers = #tpu.dot_dimension_numbers<[1], [0], [0], [1], [0, 0, 1, 1], [], []>, transpose_lhs_hint = false} : vector<4096x128xf32>, vector<128x64xf32>, vector<4096x64xf32> -> vector<4096x64xf32>
    %get3A_38 = arith.constant 0 : index
    %get3A_39 = arith.constant 0 : index
    %get3A_40 = vector.load %arg9[%get3A_38, %get3A_39] : memref<1x64xf32, #tpu.memory_space<vmem>>, vector<1x64xf32>
    %add3A_41 = vector.broadcast %get3A_40 : vector<1x64xf32> to vector<4096x64xf32>
    %add3A_42 = arith.addf %dot_general3A_37, %add3A_41 : vector<4096x64xf32>
    %max3A_43 = arith.constant 0.000000e+00 : f32
    %max3A_44 = vector.broadcast %max3A_43 : f32 to vector<4096x64xf32>
    %max3A_45 = arith.maximumf %add3A_42, %max3A_44 : vector<4096x64xf32>
    %get3A_46 = arith.constant 0 : index
    %get3A_47 = arith.constant 0 : index
    %get3A_48 = vector.load %arg10[%get3A_46, %get3A_47] : memref<64x32xf32, #tpu.memory_space<vmem>>, vector<64x32xf32>
    %dot_general3A_49 = arith.constant dense<0.000000e+00> : vector<4096x32xf32>
    %dot_general3A_50 = tpu.matmul %max3A_45, %get3A_48, %dot_general3A_49 {dimension_numbers = #tpu.dot_dimension_numbers<[1], [0], [0], [1], [0, 0, 1, 1], [], []>, transpose_lhs_hint = false} : vector<4096x64xf32>, vector<64x32xf32>, vector<4096x32xf32> -> vector<4096x32xf32>
    %get3A_51 = arith.constant 0 : index
    %get3A_52 = arith.constant 0 : index
    %get3A_53 = vector.load %arg11[%get3A_51, %get3A_52] : memref<1x32xf32, #tpu.memory_space<vmem>>, vector<1x32xf32>
    %add3A_54 = vector.broadcast %get3A_53 : vector<1x32xf32> to vector<4096x32xf32>
    %add3A_55 = arith.addf %dot_general3A_50, %add3A_54 : vector<4096x32xf32>
    %swap3A = arith.constant 0 : index
    %swap3A_56 = arith.constant 0 : index
    %swap3A_57 = vector.load %arg12[%swap3A, %swap3A_56] : memref<4096x32xf32, #tpu.memory_space<vmem>>, vector<4096x32xf32>
    tpu.vector_store %arg12[%swap3A, %swap3A_56], %add3A_55 {strides = array<i32>} : memref<4096x32xf32, #tpu.memory_space<vmem>>, vector<4096x32xf32>,
    return
  }
  func.func @transform_0(%arg0: i32) -> (i32, i32) {
    %c0_i32 = arith.constant 0 : i32
    %c0_i32_0 = arith.constant 0 : i32
    return %arg0, %c0_i32 : i32, i32
  }
  func.func @transform_1(%arg0: i32) -> (i32, i32, i32) {
    %c0_i32 = arith.constant 0 : i32
    %c0_i32_0 = arith.constant 0 : i32
    %c0_i32_1 = arith.constant 0 : i32
    return %arg0, %c0_i32, %c0_i32_0 : i32, i32, i32
  }
  func.func @transform_2(%arg0: i32) -> (i32, i32) {
    %c0_i32 = arith.constant 0 : i32
    %c0_i32_0 = arith.constant 0 : i32
    return %arg0, %c0_i32 : i32, i32
  }
  func.func @transform_3(%arg0: i32) -> (i32, i32) {
    %c0_i32 = arith.constant 0 : i32
    %c0_i32_0 = arith.constant 0 : i32
    return %arg0, %c0_i32 : i32, i32
  }
  func.func @transform_4(%arg0: i32) -> (i32, i32) {
    %c0_i32 = arith.constant 0 : i32
    %c0_i32_0 = arith.constant 0 : i32
    %c0_i32_1 = arith.constant 0 : i32
    return %c0_i32, %c0_i32_0 : i32, i32
  }
  func.func @transform_5(%arg0: i32) -> (i32, i32) {
    %c0_i32 = arith.constant 0 : i32
    %c0_i32_0 = arith.constant 0 : i32
    %c0_i32_1 = arith.constant 0 : i32
    return %c0_i32, %c0_i32_0 : i32, i32
  }
  func.func @transform_6(%arg0: i32) -> (i32, i32) {
    %c0_i32 = arith.constant 0 : i32
    %c0_i32_0 = arith.constant 0 : i32
    %c0_i32_1 = arith.constant 0 : i32
    return %c0_i32, %c0_i32_0 : i32, i32
  }
  func.func @transform_7(%arg0: i32) -> (i32, i32) {
    %c0_i32 = arith.constant 0 : i32
    %c0_i32_0 = arith.constant 0 : i32
    %c0_i32_1 = arith.constant 0 : i32
    return %c0_i32, %c0_i32_0 : i32, i32
  }
  func.func @transform_8(%arg0: i32) -> (i32, i32) {
    %c0_i32 = arith.constant 0 : i32
    %c0_i32_0 = arith.constant 0 : i32
    %c0_i32_1 = arith.constant 0 : i32
    return %c0_i32, %c0_i32_0 : i32, i32
  }
  func.func @transform_9(%arg0: i32) -> (i32, i32) {
    %c0_i32 = arith.constant 0 : i32
    %c0_i32_0 = arith.constant 0 : i32
    %c0_i32_1 = arith.constant 0 : i32
    return %c0_i32, %c0_i32_0 : i32, i32
  }
  func.func @transform_10(%arg0: i32) -> (i32, i32) {
    %c0_i32 = arith.constant 0 : i32
    %c0_i32_0 = arith.constant 0 : i32
    %c0_i32_1 = arith.constant 0 : i32
    return %c0_i32, %c0_i32_0 : i32, i32
  }
  func.func @transform_11(%arg0: i32) -> (i32, i32) {
    %c0_i32 = arith.constant 0 : i32
    %c0_i32_0 = arith.constant 0 : i32
    return %arg0, %c0_i32 : i32, i32
  }
}

</mosaic_0001>

<sc_bundles>
// kernel: kernel.5.cloned.1.call-start
scs
__scs_entry_jumppad:
0x0: {  	(pc) =	sbr.rel $0x88, $3  }
0x1: {  	(tag) =	ssettag $0x0;
	lr =	simm.s32 $0x1  }
0x2: {  	[smem:$0x3F8F] =	sst lr;
	_ =	strace $0xD0000000  }
0x3: {  	_ = 	snop  }
0x4: {  	_ = 	snop  }
0x5: {  	_ = 	snop  }
0x6: {  	_ = 	snop  }
0x7: {  	_ = 	snop  }
__scs_overlays_trampoline_lowered:
0x8: {  	[smem:$0x3F9E] =	sst s0  }
0x9: {  	[smem:$0x3F9F] =	sst s1  }
0xa: {  	[smem:$0x3FA0] =	sst s2  }
0xb: {  	[smem:$0x3FA1] =	sst s3  }
0xc: {  	[smem:$0x3FA2] =	sst s4  }
0xd: {  	[smem:$0x3FA3] =	sst s5  }
0xe: {  	[smem:$0x3FA4] =	sst s6  }
0xf: {  	[smem:$0x3FA5] =	sst s7  }
0x10: {  	[smem:$0x3FA6] =	sst s8  }
0x11: {  	[smem:$0x3FA7] =	sst s9;
	s0 =	simm.s32 @!p0 $0x0  }
0x12: {  	s1 =	sld [smem:$0x3F8D];
	s0 =	simm.s32 @p0 $0x1  }
0x13: {  	[smem:$0x3FA8] =	sst s0;
	s0 =	simm.s32 @!p1 $0x0  }
0x14: {  	s2 =	sld [smem:$0x3F8C];
	s0 =	simm.s32 @p1 $0x1  }
0x15: {  	[smem:$0x3FA9] =	sst s0;
	s0 =	simm.s32 @!p2 $0x0  }
0x16: {  	s3 =	sld [smem:$0x3FDB];
	s0 =	simm.s32 @p2 $0x1  }
0x17: {  	s4 =	simm.s32 $0x1BF5;
	[smem:$0x3FAB] =	sst s0  }
0x18: {  	s0 =	sld [smem:$0x3F8E];
	_ =	swait.ge [sflag:s4], $0x0  }
0x19: {  	s7 =	sld [smem:$0x3F8F]  }
0x1a: {  	s8 =	sadd.s32 $0xFFFFE003, lr  }
0x1b: {  	s9 =	sadd.s32 $0xFFFFFEF7, lr;
	s5 =	simm.s32 $0xFFFFFFFF;
	p2 =	slt.u32 s8, $0xFFFFF086  }
0x1c: {  	p1 =	slt.u32 s9, $0xF7A;
	s5 =	simm.s32 @!p2 $0x0  }
0x1d: {  	s5 =	simm.s32 @p1 $0x1;
	p0 =	seq.s32 s7, s2  }
0x1e: {  	s7 =	smul.u32 @!p0 $0xF7A, s2;
	p2 =	seq.s32 @!p0 s5, $0x0  }
0x1f: {  	s9 =	smul.u32 $0xF7A, s1;
	s8 =	simm.s32 @!p0 $0x1BF5;
	p2 =	por !p2, p0  }
0x20: {  	[sflag:s8] =	ssyncset.s32 @!p0 $0xFFFFF086;
	s6 =	sadd.s32 @!p0 s3, s7;
	s7 =	simm.s32 @!p0 $0x108  }
0x21: {  	s3 =	sadd.s32 s3, s9;
	s6 =	sadd.s32 @!p0 $0x88, s6;
	s7 =	simm.s32 @p2 $0x1082  }
0x22: {  	[simem:s7], [sflag:s8] =	dma.local @!p0 [hbm:s6], $0xF7A  }
0x23: {  	s9 =	sor.u32 $0xD0000000, s2;
	s6 =	simm.s32 $0x108;
	_ =	swait.ge @!p0 [sflag:s8], $0x0  }
0x24: {  	s3 =	sadd.s32 $0x88, s3;
	s6 =	simm.s32 @!p1 $0x1082;
	[sflag:s4] =	ssyncset.s32 $0xFFFFF086  }
0x25: {  	[simem:s6], [sflag:s4] =	dma.local [hbm:s3], $0xF7A  }
0x26: {  	[smem:$0x3F8F] =	sst s1;
	(tag) =	ssettag s2;
	_ =	strace s9  }
0x27: {  	s1 =	sld [smem:$0x3F9F]  }
0x28: {  	s2 =	sld [smem:$0x3FA0]  }
0x29: {  	s4 =	sld [smem:$0x3FA2]  }
0x2a: {  	p0 =	seq.s32 s5, $0x0;
	s5 =	sld [smem:$0x3FA3]  }
0x2b: {  	s6 =	sld [smem:$0x3FA4]  }
0x2c: {  	s7 =	sld [smem:$0x3FA5]  }
0x2d: {  	s3 =	simm.s32 $0x108;
	s8 =	sld [smem:$0x3FA6]  }
0x2e: {  	s3 =	simm.s32 @!p0 $0x1082;
	s9 =	sld [smem:$0x3FA7]  }
0x2f: {  	lr =	sadd.s32 s0, s3;
	s0 =	sld [smem:$0x3F9E]  }
0x30: {  	s3 =	sld [smem:$0x3FA1]  }
0x31: {  	[smem:$0x3FAA] =	sst s10  }
0x32: {  	s10 =	sld [smem:$0x3FA8];
	_ =	sdelay $0x3  }
0x33: {  	p0 =	seq.s32 s10, $0x1;
	s10 =	sld [smem:$0x3FAA];
	_ =	sdelay $0x3  }
0x34: {  	[smem:$0x3FAA] =	sst s10  }
0x35: {  	s10 =	sld [smem:$0x3FA9];
	_ =	sdelay $0x3  }
0x36: {  	p1 =	seq.s32 s10, $0x1;
	s10 =	sld [smem:$0x3FAA];
	_ =	sdelay $0x3  }
0x37: {  	[smem:$0x3FAA] =	sst s10  }
0x38: {  	s10 =	sld [smem:$0x3FAB]  }
0x39: {  	_ = 	snop;
	(pc) =	sbr.ind lr, $3  }
0x3a: {  	_ = 	snop  }
0x3b: {  	_ = 	snop  }
0x3c: {  	p2 =	seq.s32 s10, $0x1;
	s10 =	sld [smem:$0x3FAA]  }
0x3d: {  	_ =	shalt  }
0x3e: {  	_ =	shalt  }
0x3f: {  	_ =	shalt  }
0x40: {  	_ =	shalt  }
0x41: {  	_ =	shalt  }
0x42: {  	_ =	shalt  }
0x43: {  	_ =	shalt  }
0x44: {  	_ =	shalt  }
0x45: {  	_ =	shalt  }
0x46: {  	_ =	shalt  }
0x47: {  	_ =	shalt  }
0x48: {  	_ =	shalt  }
0x49: {  	_ =	shalt  }
0x4a: {  	_ =	shalt  }
0x4b: {  	_ =	shalt  }
0x4c: {  	_ =	shalt  }
0x4d: {  	_ =	shalt  }
0x4e: {  	_ =	shalt  }
0x4f: {  	_ =	shalt  }
0x50: {  	_ =	shalt  }
0x51: {  	_ =	shalt  }
0x52: {  	_ =	shalt  }
0x53: {  	_ =	shalt  }
0x54: {  	_ =	shalt  }
0x55: {  	_ =	shalt  }
0x56: {  	_ =	shalt  }
0x57: {  	_ =	shalt  }
0x58: {  	_ =	shalt  }
0x59: {  	_ =	shalt  }
0x5a: {  	_ =	shalt  }
0x5b: {  	_ =	shalt  }
0x5c: {  	_ =	shalt  }
0x5d: {  	_ =	shalt  }
0x5e: {  	_ =	shalt  }
0x5f: {  	_ =	shalt  }
0x60: {  	_ =	shalt  }
0x61: {  	_ =	shalt  }
0x62: {  	_ =	shalt  }
0x63: {  	_ =	shalt  }
0x64: {  	_ =	shalt  }
0x65: {  	_ =	shalt  }
0x66: {  	_ =	shalt  }
0x67: {  	_ =	shalt  }
0x68: {  	_ =	shalt  }
0x69: {  	_ =	shalt  }
0x6a: {  	_ =	shalt  }
0x6b: {  	_ =	shalt  }
0x6c: {  	_ =	shalt  }
0x6d: {  	_ =	shalt  }
0x6e: {  	_ =	shalt  }
0x6f: {  	_ =	shalt  }
0x70: {  	_ =	shalt  }
0x71: {  	_ =	shalt  }
0x72: {  	_ =	shalt  }
0x73: {  	_ =	shalt  }
0x74: {  	_ =	shalt  }
0x75: {  	_ =	shalt  }
0x76: {  	_ =	shalt  }
0x77: {  	_ =	shalt  }
0x78: {  	_ =	shalt  }
0x79: {  	_ =	shalt  }
0x7a: {  	_ =	shalt  }
0x7b: {  	_ =	shalt  }
0x7c: {  	_ =	shalt  }
0x7d: {  	_ =	shalt  }
0x7e: {  	_ =	shalt  }
0x7f: {  	_ =	shalt  }
0x80: {  	_ =	shalt  }
0x81: {  	_ =	shalt  }
0x82: {  	_ =	shalt  }
0x83: {  	_ =	shalt  }
0x84: {  	_ =	shalt  }
0x85: {  	_ =	shalt  }
0x86: {  	_ =	shalt  }
0x87: {  	_ =	shalt  }
.Lfunc_end0:
.L_simem_size_0:
called_computation_lowered:
.L_overlay_start_0:
0x88: {  	s2 =	sld [smem:$0x3FD9]  }
0x89: {  	s3 =	sld [smem:$0x3FFE];
	_ =	sdelay $0x1  }
0x8a: {  	s1 =	srdreg.scid  }
0x8b: {  	s0 =	sand.u32 $0x1, s1  }
0x8c: {  	s17 =	sshll.u32 s0, $0xA;
	s2 =	sadd.s32 s3, s2  }
0x8d: {  	s2 =	sadd.s32 s2, s17  }
0x8e: {  	[smem:$0x3FB6] =	sst s2  }
0x8f: {  	_ = 	snop  }
0x90: {  	s2 =	sld [smem:$0x3FD0];
	(tm) =	ssettm $0x1  }
0x91: {  	s18 =	sld [smem:$0x3FFB];
	_ =	sdelay $0x3  }
0x92: {  	_ =	strace s18  }
0x93: {  	s3 =	sld [smem:$0x3FFC];
	_ =	sdelay $0x3  }
0x94: {  	_ =	strace s3  }
0x95: {  	s3 =	sld [smem:$0x3FFD];
	_ =	sdelay $0x3  }
0x96: {  	_ =	strace s3  }
0x97: {  	_ =	strace $0x8FFFFFFF  }
0x98: {  	s19 =	sld [smem:$0x3FDB];
	_ =	sdelay $0x1  }
0x99: {  	s4 =	simm.s32 $_scs_section_size  }
0x9a: {  	s5 =	simm.s32 $_size__tile_overlayer_lowered;
	s6 =	simm.s32 $_tile_overlayer_lowered  }
0x9b: {  	s22 =	simm.s32 $0x1BFF;
	s21 =	sshll.u32 s6, $0x1;
	s3 =	sadd.s32 s4, s19  }
0x9c: {  	s7 =	simm.s32 $0x0;
	s20 =	sshll.u32 s5, $0x1;
	s5 =	sadd.s32 s21, s3  }
0x9d: {  	[timem:s7], [sflag:s22] =	dma.local [hbm:s5], s20  }
0x9e: {  	_ =	swait.ge [sflag:s22], s20  }
0x9f: {  	s4 =	ssub.s32 $0x0, s20;
	[sflag:s22] =	ssyncset.done $0x0  }
0xa0: {  	[sflag:s22] =	ssyncadd.s32 s4;
	_ =	sdelay $0x1  }
0xa1: {  	s23 =	simm.s32 $0x1B8B  }
0xa2: {  	_ =	swait.ge [sflag:s23], $0x1  }
0xa3: {  	[sflag:s23] =	ssyncset.done $0x0  }
0xa4: {  	s25 =	simm.s32 $0x1B8E;
	s24 =	sld [smem:$0x3FFE];
	[sflag:s23] =	ssyncadd.s32 $0xFFFFFFFF  }
0xa5: {  	s26 =	simm.s32 $execute0_lowered;
	[smem:$0x3FD2] =	sst s25  }
0xa6: {  	s5 =	sshll.u32 s26, $0x1;
	_ =	strace $0x80000046;
	[dreg:$0x1] =	wrdreg $0xFFFFFFFF  }
0xa7: {  	s28 =	simm.s32 $_size_execute0_lowered;
	s3 =	sadd.s32 s3, s5;
	[dreg:$0x0] =	wrdreg $0x0  }
0xa8: {  	s5 =	sshll.u32 s28, $0x1;
	[dreg:$0x2] =	wrdreg s3  }
0xa9: {  	[dreg:$0x3] =	wrdreg s5  }
0xaa: {  	[dreg:$0x4] =	wrdreg $0xC0  }
0xab: {  	_ =	task [dreg:s7], $0x5FFFF  }
0xac: {  	[dreg:$0x1] =	wrdreg $0xFFFFFFFF  }
0xad: {  	[dreg:$0x0] =	wrdreg $0x60  }
0xae: {  	[dreg:$0x2] =	wrdreg s24  }
0xaf: {  	[dreg:$0x3] =	wrdreg s2  }
0xb0: {  	[dreg:$0x4] =	wrdreg $0x9  }
0xb1: {  	_ =	task.clear_ibuf [dreg:s7], $0x5FFFF;
	_ =	strace $0x90000046  }
0xb2: {  	s29 =	simm.s32 $0x9;
	_ =	strace $0x80000048  }
0xb3: {  	_ =	swait.ge [sflag:s29], $0x1  }
0xb4: {  	[sflag:s29] =	ssyncadd.s32 $0xFFFFFFFF  }
0xb5: {  	_ =	strace $0x90000048  }
0xb6: {  	_ =	sfence  }
0xb7: {  	s30 =	sld [smem:$0x0];
	_ =	sdelay $0x2  }
0xb8: {  	s31 =	sshll.u32 s1, $0xD;
	s1 =	sshrl.u32 s1, $0x2  }
0xb9: {  	s3 =	sand.u32 $0x4000, s31;
	s1 =	sadd.s32 s1, s30  }
0xba: {  	s0 =	sor.u32 s3, s0;
	s1 =	sshll.u32 s1, $0x11  }
0xbb: {  	s0 =	sor.u32 s1, s0  }
0xbc: {  	s0 =	sadd.s32 $0x8F2B, s0  }
0xbd: {  	[sflag:s0] =	ssyncadd.remote.s32 $0x1  }
0xbe: {  	_ =	sfence.sel $0xFFFF  }
0xbf: {  	[dreg:$0x0] =	wrdreg $0xFFFFFFFF;
	(pc) =	sbr.abs _section_cstart, $3  }
0xc0: {  	[dreg:$0x1] =	wrdreg $0xFFFFFFFF  }
0xc1: {  	_ =	task.clear_ibuf [dreg:s7], $0x2FFFF;
	_ =	strace $0x9FFFFFFF  }
0xc2: {  	(tm) =	ssettm $0x7FFFFFFF  }
0xc3: {  	_ =	shalt  }
tec
execute0_lowered:
.L_overlay_start_1:
0x0: {  	(tag) =	ssettag $0x1  }
0x1: {  	s0 =	srdreg.scid  }
0x2: {  	s23 =	sand.u32 $0x1, s0  }
0x3: {  	s14 =	rddreg [dreg:$0x0];
	s0 =	stileid.u32;
	s1 =	sshll.u32 s23, $0x4  }
0x4: {  	s2 =	rddreg [dreg:$0x1];
	s3 =	sshll.u32 s0, $0x6;
	s15 =	sor.u32 s0, s1  }
0x5: {  	s1 =	rddreg [dreg:$0x2];
	s4 =	sand.u32 $0x40, s3;
	s5 =	sshll.u32 s15, $0x6  }
0x6: {  	s3 =	simm.s32 $0x0;
	s4 =	sadd.s32 s4, s14;
	s5 =	sand.u32 $0x780, s5  }
0x7: {  	[smem:$0x7FF] =	sst s3;
	s4 =	sadd.s32 s5, s4  }
0x8: {  	_ =	strace $0x80000047;
	s5 =	simm.s32 $0x9;
	s4 =	sadd.s32 $0x2E00, s4  }
0x9: {  	[tilespmem:s3], [sflag:$0x9] =	stream.linear.gather [hbm4b:s4+s3], $0x200, $0x38;
	[tilespmem:$0x10200] =	vst v63  }
0xa: {  	_ =	swait.ge [sflag:s5], $0x200  }
0xb: {  	[sflag:s5] =	ssyncset.done $0x0  }
0xc: {  	s6 =	simm.s32 $0x80;
	s7 =	simm.s32 $0x200;
	[sflag:s5] =	ssyncadd.s32 $0xFFFFFE00  }
0xd: {  	[tilespmem:s7], [sflag:$0x1] =	stream.indirect.gather [hbm4b:s2+s6], $0x80, s3, s6, $0xb8;
	[tilespmem:$0x10200] =	vst v63  }
0xe: {  	s8 =	simm.s32 $0x4200  }
0xf: {  	[tilespmem:s8], [sflag:$0x2] =	stream.indirect.gather [hbm4b:s2+s6], $0x80, s6, s6, $0xb8;
	[tilespmem:$0x10200] =	vst v63  }
0x10: {  	s9 =	simm.s32 $0x100;
	s10 =	simm.s32 $0x8200  }
0x11: {  	[tilespmem:s10], [sflag:$0x3] =	stream.indirect.gather [hbm4b:s2+s6], $0x80, s9, s6, $0xb8;
	[tilespmem:$0x10200] =	vst v63  }
0x12: {  	s11 =	simm.s32 $0x180;
	s12 =	simm.s32 $0xC200;
	s13 =	simm.s32 $0x1  }
0x13: {  	[tilespmem:s12], [sflag:$0x4] =	stream.indirect.gather [hbm4b:s2+s6], $0x80, s11, s6, $0xb8;
	[tilespmem:$0x10200] =	vst v63  }
0x14: {  	s15 =	sshll.u32 s15, $0xD;
	_ =	swait.ge [sflag:s13], $0x4000  }
0x15: {  	s20 =	sadd.s32 s15, s14;
	[sflag:s13] =	ssyncset.done $0x0  }
0x16: {  	s15 =	simm.s32 $0x2;
	s14 =	sadd.s32 $0x3600, s20;
	[sflag:s13] =	ssyncadd.s32 $0xFFFFC000  }
0x17: {  	[hbm4b:s14+s3] =	stream.linear.scatter [tilespmem:s7], [sflag:$0x5], $0x4000, $0x38;
	[tilespmem:$0x10200] =	vst v63  }
0x18: {  	_ =	swait.ge [sflag:s15], $0x4000  }
0x19: {  	[sflag:s15] =	ssyncset.done $0x0  }
0x1a: {  	s17 =	simm.s32 $0x3;
	s16 =	sadd.s32 $0x3E00, s20;
	[sflag:s15] =	ssyncadd.s32 $0xFFFFC000  }
0x1b: {  	[hbm4b:s16+s3] =	stream.linear.scatter [tilespmem:s8], [sflag:$0x6], $0x4000, $0x38;
	[tilespmem:$0x10200] =	vst v63  }
0x1c: {  	_ =	swait.ge [sflag:s17], $0x4000  }
0x1d: {  	[sflag:s17] =	ssyncset.done $0x0  }
0x1e: {  	s19 =	simm.s32 $0x4;
	s18 =	sadd.s32 $0x4600, s20;
	[sflag:s17] =	ssyncadd.s32 $0xFFFFC000  }
0x1f: {  	[hbm4b:s18+s3] =	stream.linear.scatter [tilespmem:s10], [sflag:$0x7], $0x4000, $0x38;
	[tilespmem:$0x10200] =	vst v63  }
0x20: {  	_ =	swait.ge [sflag:s19], $0x4000  }
0x21: {  	[sflag:s19] =	ssyncset.done $0x0  }
0x22: {  	s21 =	simm.s32 $0x5;
	s20 =	sadd.s32 $0x4E00, s20;
	[sflag:s19] =	ssyncadd.s32 $0xFFFFC000  }
0x23: {  	[hbm4b:s20+s3] =	stream.linear.scatter [tilespmem:s12], [sflag:$0x8], $0x4000, $0x38;
	[tilespmem:$0x10200] =	vst v63  }
0x24: {  	_ =	swait.ge [sflag:s21], $0x4000  }
0x25: {  	s24 =	ssub.s32 $0x2, s23;
	[sflag:s21] =	ssyncset.done $0x0  }
0x26: {  	s22 =	simm.s32 $0x6;
	s25 =	sshrl.u32 s24, $0x1;
	[sflag:s21] =	ssyncadd.s32 $0xFFFFC000  }
0x27: {  	s24 =	ssub.s32 s24, s25;
	_ =	swait.ge [sflag:s22], $0x4000  }
0x28: {  	s25 =	smax.u32 s24, $0x1;
	[sflag:s22] =	ssyncset.done $0x0  }
0x29: {  	s23 =	simm.s32 $0x7;
	p0 =	sne.s32 s25, $0x1;
	[sflag:s22] =	ssyncadd.s32 $0xFFFFC000  }
.Ltmp0:
0x2a: {  	_ =	swait.ge [sflag:s23], $0x4000;
	(pc) =	sbr.rel @!p0 .LBB2_2-.Ltmp0, $4  }
0x2b: {  	[sflag:s23] =	ssyncset.done $0x0  }
0x2c: {  	s24 =	simm.s32 $0x8;
	[sflag:s23] =	ssyncadd.s32 $0xFFFFC000  }
0x2d: {  	_ =	swait.ge [sflag:s24], $0x4000  }
0x2e: {  	s25 =	sadd.s32 $0xFFFFFFFF, s25;
	[sflag:s24] =	ssyncset.done $0x0  }
.LBB2_1:
0x2f: {  	p0 =	sne.s32 s25, $0x1;
	s25 =	sadd.s32 $0xFFFFFFFF, s25;
	[sflag:s24] =	ssyncadd.s32 $0xFFFFC000  }
0x30: {  	[tilespmem:s3], [sflag:$0x9] =	stream.linear.gather [hbm4b:s4+s3], $0x200, $0x38;
	[tilespmem:$0x10200] =	vst v63  }
0x31: {  	_ =	swait.ge [sflag:s5], $0x200  }
0x32: {  	[sflag:s5] =	ssyncset.done $0x0  }
0x33: {  	[sflag:s5] =	ssyncadd.s32 $0xFFFFFE00  }
0x34: {  	[tilespmem:s7], [sflag:$0x1] =	stream.indirect.gather [hbm4b:s2+s6], $0x80, s3, s6, $0xb8;
	[tilespmem:$0x10200] =	vst v63  }
0x35: {  	_ = 	snop  }
0x36: {  	[tilespmem:s8], [sflag:$0x2] =	stream.indirect.gather [hbm4b:s2+s6], $0x80, s6, s6, $0xb8;
	[tilespmem:$0x10200] =	vst v63  }
0x37: {  	_ = 	snop  }
0x38: {  	[tilespmem:s10], [sflag:$0x3] =	stream.indirect.gather [hbm4b:s2+s6], $0x80, s9, s6, $0xb8;
	[tilespmem:$0x10200] =	vst v63  }
0x39: {  	_ = 	snop  }
0x3a: {  	[tilespmem:s12], [sflag:$0x4] =	stream.indirect.gather [hbm4b:s2+s6], $0x80, s11, s6, $0xb8;
	[tilespmem:$0x10200] =	vst v63  }
0x3b: {  	_ =	swait.ge [sflag:s13], $0x4000  }
0x3c: {  	[sflag:s13] =	ssyncset.done $0x0  }
0x3d: {  	[sflag:s13] =	ssyncadd.s32 $0xFFFFC000  }
0x3e: {  	[hbm4b:s14+s3] =	stream.linear.scatter [tilespmem:s7], [sflag:$0x5], $0x4000, $0x38;
	[tilespmem:$0x10200] =	vst v63  }
0x3f: {  	_ =	swait.ge [sflag:s15], $0x4000  }
0x40: {  	[sflag:s15] =	ssyncset.done $0x0  }
0x41: {  	[sflag:s15] =	ssyncadd.s32 $0xFFFFC000  }
0x42: {  	[hbm4b:s16+s3] =	stream.linear.scatter [tilespmem:s8], [sflag:$0x6], $0x4000, $0x38;
	[tilespmem:$0x10200] =	vst v63  }
0x43: {  	_ =	swait.ge [sflag:s17], $0x4000  }
0x44: {  	[sflag:s17] =	ssyncset.done $0x0  }
0x45: {  	[sflag:s17] =	ssyncadd.s32 $0xFFFFC000  }
0x46: {  	[hbm4b:s18+s3] =	stream.linear.scatter [tilespmem:s10], [sflag:$0x7], $0x4000, $0x38;
	[tilespmem:$0x10200] =	vst v63  }
0x47: {  	_ =	swait.ge [sflag:s19], $0x4000  }
0x48: {  	[sflag:s19] =	ssyncset.done $0x0  }
0x49: {  	[sflag:s19] =	ssyncadd.s32 $0xFFFFC000  }
0x4a: {  	[hbm4b:s20+s3] =	stream.linear.scatter [tilespmem:s12], [sflag:$0x8], $0x4000, $0x38;
	[tilespmem:$0x10200] =	vst v63  }
0x4b: {  	_ =	swait.ge [sflag:s21], $0x4000  }
0x4c: {  	[sflag:s21] =	ssyncset.done $0x0  }
0x4d: {  	[sflag:s21] =	ssyncadd.s32 $0xFFFFC000  }
0x4e: {  	_ =	swait.ge [sflag:s22], $0x4000  }
0x4f: {  	[sflag:s22] =	ssyncset.done $0x0  }
0x50: {  	[sflag:s22] =	ssyncadd.s32 $0xFFFFC000  }
.Ltmp1:
0x51: {  	_ =	swait.ge [sflag:s23], $0x4000;
	(pc) =	sbr.rel @p0 .LBB2_1-.Ltmp1, $4  }
0x52: {  	[sflag:s23] =	ssyncset.done $0x0  }
0x53: {  	[sflag:s23] =	ssyncadd.s32 $0xFFFFC000  }
0x54: {  	_ =	swait.ge [sflag:s24], $0x4000  }
0x55: {  	[sflag:s24] =	ssyncset.done $0x0  }
.LBB2_2:
0x56: {  	[sflag:s24] =	ssyncadd.s32 $0xFFFFC000  }
0x57: {  	_ =	sfence.sel $0x180000  }
0x58: {  	[bflag:$0x0] =	sbarrier.arrive $0xFFFF  }
0x59: {  	p0 =	sne.s32 s0, $0x0;
	_ =	strace $0x90000047  }
0x5a: {  	s0 =	sadd.s32 @!p0 $0x100000, s1;
	[bflag:$0x2] =	sbarrier.arrive $0xFFFF  }
0x5b: {  	[sflag:s0] =	ssyncadd.tile.s32 @!p0 $0x1;
	_ =	shalt  }
.Lfunc_end2:
_tile_overlayer_lowered:
.L_overlay_start_2:
0x5c: {  	(tag) =	ssettag $0x2  }
0x5d: {  	s0 =	rddreg [dreg:$0x0];
	s2 =	stileid.u32  }
0x5e: {  	s1 =	rddreg [dreg:$0x1];
	p0 =	sne.s32 s2, $0x0  }
0x5f: {  	s3 =	rddreg [dreg:$0x2];
	[bflag:$0x3] =	sbarrier.arrive $0xFFFF;
	s2 =	simm.s32 @!p0 $0x1C09  }
0x60: {  	[timem:s3], [sflag:s2] =	dma.local @!p0 [hbm:s0], s1  }
0x61: {  	s0 =	simm.s32 @!p0 $0x9  }
0x62: {  	_ =	swait.ge @!p0 [sflag:s0], s1  }
0x63: {  	s1 =	ssub.s32 @!p0 $0x0, s1;
	[sflag:s0] =	ssyncset.done @!p0 $0x0  }
0x64: {  	[sflag:s0] =	ssyncadd.s32 @!p0 s1  }
0x65: {  	[bflag:$0x3] =	sbarrier.arrive $0xFFFF  }
0x66: {  	_ =	shalt  }

</sc_bundles>
